<compile_context>
chip_gen: v7x
topology: tpu7x:2x2x1
jax: 0.10.2.dev20260603
libtpu: 0.0.44.dev20260713+nightly
codegen_flags: <defaults>
</compile_context>

<pallas_src>
import functools

import jax
import jax.numpy as jnp
from jax import lax
from jax.experimental import pallas as pl
from jax.experimental.pallas import tpu as pltpu
from jax.experimental.pallas import tpu_sc as plsc


def _k0_body(f1t_ref, W1aT_ref, gt_ref):
    gt_ref[0] = jnp.dot(f1t_ref[0], W1aT_ref[...],
                        preferred_element_type=jnp.float32)


def _s1a_body(p1t_ref, p2_ref, idx_ref, w_ref, *, N1, BLK):
    b = pl.program_id(0)

    p1 = p1t_ref[0]
    p2 = p2_ref[0]
    p1sq = jnp.sum(p1 * p1, axis=1, keepdims=True)
    p2sq = jnp.sum(p2 * p2, axis=0, keepdims=True)
    cross = jnp.dot(p1, p2, preferred_element_type=jnp.float32)
    D = ((-2.0) * cross + p2sq) + p1sq

    inf = jnp.float32(jnp.inf)
    iota = lax.broadcasted_iota(jnp.int32, (N1, BLK), 0)
    m1 = jnp.min(D, axis=0, keepdims=True)
    eq1 = D == m1
    D1 = jnp.where(eq1, inf, D)
    m2 = jnp.min(D1, axis=0, keepdims=True)
    eq2 = D1 == m2
    D2 = jnp.where(eq2, inf, D1)
    m3 = jnp.min(D2, axis=0, keepdims=True)
    eq3 = D2 == m3

    big = jnp.int32(N1)
    i1 = jnp.min(jnp.where(eq1, iota, big), axis=0, keepdims=True)
    i2 = jnp.min(jnp.where(eq2, iota, big), axis=0, keepdims=True)
    i3 = jnp.min(jnp.where(eq3, iota, big), axis=0, keepdims=True)
    base = b * N1
    zi = jnp.zeros((5, BLK), jnp.int32)
    idx_ref[...] = jnp.concatenate(
        [i1 + base, i2 + base, i3 + base, zi], axis=0)

    inv1 = 1.0 / jnp.maximum(m1, 1e-10)
    inv2 = 1.0 / jnp.maximum(m2, 1e-10)
    inv3 = 1.0 / jnp.maximum(m3, 1e-10)
    rnorm = 1.0 / (inv1 + inv2 + inv3)
    zw = jnp.zeros((5, BLK), jnp.float32)
    w_ref[...] = jnp.concatenate(
        [inv1 * rnorm, inv2 * rnorm, inv3 * rnorm, zw], axis=0)


def _make_sc_gather(BN2, H1, NW, CH):
    qpw = BN2 // NW
    nch = qpw // CH

    def body(gt_hbm, i1_hbm, i2_hbm, i3_hbm,
             g1_hbm, g2_hbm, g3_hbm,
             i1v, i2v, i3v, r1v, r2v, r3v, sem):
        wid = lax.axis_index("s") * 2 + lax.axis_index("c")

        def chunk(ci, carry):
            base = wid * qpw + ci * CH
            sl = pl.ds(base, CH)
            pltpu.sync_copy(i1_hbm.at[sl], i1v)
            pltpu.sync_copy(i2_hbm.at[sl], i2v)
            pltpu.sync_copy(i3_hbm.at[sl], i3v)
            c1 = pltpu.async_copy(gt_hbm.at[i1v], r1v, sem)
            c2 = pltpu.async_copy(gt_hbm.at[i2v], r2v, sem)
            c3 = pltpu.async_copy(gt_hbm.at[i3v], r3v, sem)
            c1.wait()
            c2.wait()
            c3.wait()
            pltpu.sync_copy(r1v, g1_hbm.at[sl])
            pltpu.sync_copy(r2v, g2_hbm.at[sl])
            pltpu.sync_copy(r3v, g3_hbm.at[sl])
            return carry

        lax.fori_loop(0, nch, chunk, 0)

    return body


def _s1b_body(g1_ref, g2_ref, g3_ref, wt_ref, f2t_ref, W1bT_ref, b1r_ref,
              y1_ref, st_ref):
    b = pl.program_id(0)
    j = pl.program_id(1)
    wt = wt_ref[0]
    y = (g1_ref[0] * wt[:, 0:1] + g2_ref[0] * wt[:, 1:2]
         + g3_ref[0] * wt[:, 2:3])
    y = y + jnp.dot(f2t_ref[0], W1bT_ref[...],
                    preferred_element_type=jnp.float32)
    y = y + b1r_ref[...]
    y1_ref[0] = y

    @pl.when(jnp.logical_and(b == 0, j == 0))
    def _():
        st_ref[...] = jnp.zeros_like(st_ref)

    st_ref[0:1, :] += jnp.sum(y, axis=0, keepdims=True)
    st_ref[1:2, :] += jnp.sum(y * y, axis=0, keepdims=True)


def _s2q_body(y1_ref, st_ref, g_ref, be_ref, W2T_ref, b2r_ref,
              y2_ref, st2_ref, *, M):
    b = pl.program_id(0)
    j = pl.program_id(1)
    mean = st_ref[0:1, :] / M
    var = st_ref[1:2, :] / M - mean * mean
    scale = g_ref[...] * lax.rsqrt(var + 1e-3)
    shift = be_ref[...] - mean * scale
    h = jnp.maximum(y1_ref[0] * scale + shift, 0.0)
    y = jnp.dot(h, W2T_ref[...], preferred_element_type=jnp.float32)
    y = y + b2r_ref[...]
    y2_ref[0] = y

    @pl.when(jnp.logical_and(b == 0, j == 0))
    def _():
        st2_ref[...] = jnp.zeros_like(st2_ref)

    st2_ref[0:1, :] += jnp.sum(y, axis=0, keepdims=True)
    st2_ref[1:2, :] += jnp.sum(y * y, axis=0, keepdims=True)


def _s3q_body(y2_ref, st_ref, g_ref, be_ref, out_ref, *, M):
    mean = st_ref[0:1, :] / M
    var = st_ref[1:2, :] / M - mean * mean
    scale = g_ref[...] * lax.rsqrt(var + 1e-3)
    shift = be_ref[...] - mean * scale
    o = jnp.maximum(y2_ref[0] * scale + shift, 0.0)
    out_ref[0] = jnp.transpose(o, (1, 0))


@jax.jit
def kernel(points1, points2, features1, features2,
           W1, b1, g1, be1, W2, b2, g2, be2):
    B, _, N1 = points1.shape
    N2 = points2.shape[2]
    C1 = features1.shape[1]
    C2 = features2.shape[1]
    H1 = W1.shape[0]
    H2 = W2.shape[0]
    BLK = min(1024, N2)
    NB = N2 // BLK
    BN2 = B * N2
    M = BN2

    p1t = jnp.transpose(points1, (0, 2, 1))
    f1t = jnp.transpose(features1, (0, 2, 1))
    f2t = jnp.transpose(features2, (0, 2, 1))
    W1aT = jnp.transpose(W1[:, :C1])
    W1bT = jnp.transpose(W1[:, C1:])
    W2T = jnp.transpose(W2)
    b1r = b1.reshape(1, H1)
    g1r = g1.reshape(1, H1)
    be1r = be1.reshape(1, H1)
    b2r = b2.reshape(1, H2)
    g2r = g2.reshape(1, H2)
    be2r = be2.reshape(1, H2)

    gt = pl.pallas_call(
        _k0_body,
        grid=(B,),
        in_specs=[
            pl.BlockSpec((1, N1, C1), lambda b: (b, 0, 0)),
            pl.BlockSpec((C1, H1), lambda b: (0, 0)),
        ],
        out_specs=pl.BlockSpec((1, N1, H1), lambda b: (b, 0, 0)),
        out_shape=jax.ShapeDtypeStruct((B, N1, H1), jnp.float32),
    )(f1t, W1aT)

    idxs, ws = pl.pallas_call(
        functools.partial(_s1a_body, N1=N1, BLK=BLK),
        grid=(B, NB),
        in_specs=[
            pl.BlockSpec((1, N1, 3), lambda b, j: (b, 0, 0)),
            pl.BlockSpec((1, 3, BLK), lambda b, j: (b, 0, j)),
        ],
        out_specs=[
            pl.BlockSpec((8, BLK), lambda b, j: (0, b * NB + j)),
            pl.BlockSpec((8, BLK), lambda b, j: (0, b * NB + j)),
        ],
        out_shape=[
            jax.ShapeDtypeStruct((8, BN2), jnp.int32),
            jax.ShapeDtypeStruct((8, BN2), jnp.float32),
        ],
        compiler_params=pltpu.CompilerParams(
            dimension_semantics=("arbitrary", "arbitrary")),
    )(p1t, points2)

    gt_flat = gt.reshape(B * N1, H1)
    i1, i2, i3 = idxs[0], idxs[1], idxs[2]
    wt = jnp.transpose(ws[0:3], (1, 0)).reshape(B, N2, 3)

    info = plsc.get_sparse_core_info()
    NW = info.num_cores * info.num_subcores
    CH = 128

    sc_body = _make_sc_gather(BN2, H1, NW, CH)
    g1, g2, g3 = pl.kernel(
        sc_body,
        out_type=[
            jax.ShapeDtypeStruct((BN2, H1), jnp.float32),
            jax.ShapeDtypeStruct((BN2, H1), jnp.float32),
            jax.ShapeDtypeStruct((BN2, H1), jnp.float32),
        ],
        mesh=plsc.VectorSubcoreMesh(core_axis_name="c", subcore_axis_name="s"),
        scratch_types=[
            pltpu.VMEM((CH,), jnp.int32),
            pltpu.VMEM((CH,), jnp.int32),
            pltpu.VMEM((CH,), jnp.int32),
            pltpu.VMEM((CH, H1), jnp.float32),
            pltpu.VMEM((CH, H1), jnp.float32),
            pltpu.VMEM((CH, H1), jnp.float32),
            pltpu.SemaphoreType.DMA,
        ],
    )(gt_flat, i1, i2, i3)

    g1 = g1.reshape(B, N2, H1)
    g2 = g2.reshape(B, N2, H1)
    g3 = g3.reshape(B, N2, H1)

    y1q, st1 = pl.pallas_call(
        _s1b_body,
        grid=(B, NB),
        in_specs=[
            pl.BlockSpec((1, BLK, H1), lambda b, j: (b, j, 0)),
            pl.BlockSpec((1, BLK, H1), lambda b, j: (b, j, 0)),
            pl.BlockSpec((1, BLK, H1), lambda b, j: (b, j, 0)),
            pl.BlockSpec((1, BLK, 3), lambda b, j: (b, j, 0)),
            pl.BlockSpec((1, BLK, C2), lambda b, j: (b, j, 0)),
            pl.BlockSpec((C2, H1), lambda b, j: (0, 0)),
            pl.BlockSpec((1, H1), lambda b, j: (0, 0)),
        ],
        out_specs=[
            pl.BlockSpec((1, BLK, H1), lambda b, j: (b, j, 0)),
            pl.BlockSpec((8, H1), lambda b, j: (0, 0)),
        ],
        out_shape=[
            jax.ShapeDtypeStruct((B, N2, H1), jnp.float32),
            jax.ShapeDtypeStruct((8, H1), jnp.float32),
        ],
        compiler_params=pltpu.CompilerParams(
            dimension_semantics=("arbitrary", "arbitrary")),
    )(g1, g2, g3, wt, f2t, W1bT, b1r)

    y2q, st2 = pl.pallas_call(
        functools.partial(_s2q_body, M=M),
        grid=(B, NB),
        in_specs=[
            pl.BlockSpec((1, BLK, H1), lambda b, j: (b, j, 0)),
            pl.BlockSpec((8, H1), lambda b, j: (0, 0)),
            pl.BlockSpec((1, H1), lambda b, j: (0, 0)),
            pl.BlockSpec((1, H1), lambda b, j: (0, 0)),
            pl.BlockSpec((H1, H2), lambda b, j: (0, 0)),
            pl.BlockSpec((1, H2), lambda b, j: (0, 0)),
        ],
        out_specs=[
            pl.BlockSpec((1, BLK, H2), lambda b, j: (b, j, 0)),
            pl.BlockSpec((8, H2), lambda b, j: (0, 0)),
        ],
        out_shape=[
            jax.ShapeDtypeStruct((B, N2, H2), jnp.float32),
            jax.ShapeDtypeStruct((8, H2), jnp.float32),
        ],
        compiler_params=pltpu.CompilerParams(
            dimension_semantics=("arbitrary", "arbitrary")),
    )(y1q, st1, g1r, be1r, W2T, b2r)

    out = pl.pallas_call(
        functools.partial(_s3q_body, M=M),
        grid=(B, NB),
        in_specs=[
            pl.BlockSpec((1, BLK, H2), lambda b, j: (b, j, 0)),
            pl.BlockSpec((8, H2), lambda b, j: (0, 0)),
            pl.BlockSpec((1, H2), lambda b, j: (0, 0)),
            pl.BlockSpec((1, H2), lambda b, j: (0, 0)),
        ],
        out_specs=pl.BlockSpec((1, H2, BLK), lambda b, j: (b, 0, j)),
        out_shape=jax.ShapeDtypeStruct((B, H2, N2), jnp.float32),
        compiler_params=pltpu.CompilerParams(
            dimension_semantics=("arbitrary", "arbitrary")),
    )(y2q, st2, g2r, be2r)

    return out

# --- scband reference (transcript-rebuilt; emitter-appended) ---
"""Pipeline reference for scband-feature-propagation-28398323761384 (READ-ONLY COPY).

The authoritative reference and input builder live on the scoring server;
editing this copy changes nothing except your own understanding.
"""

import jax, jax.numpy as jnp
import numpy as np

B, N1, N2, C1, C2 = 16, 1024, 4096, 256, 128
CH = [C1 + C2, 256, 256]


def setup_inputs(seed: int = 0) -> dict:
    key = jax.random.key(seed)
    ks = jax.random.split(key, 8)
    inp = {
        'points1': jax.random.uniform(ks[0], (B, 3, N1), dtype=jnp.float32),
        'points2': jax.random.uniform(ks[1], (B, 3, N2), dtype=jnp.float32),
        'features1': jax.random.normal(ks[2], (B, C1, N1), dtype=jnp.float32),
        'features2': jax.random.normal(ks[3], (B, C2, N2), dtype=jnp.float32),
        'W1': jax.random.normal(ks[4], (CH[1], CH[0]), dtype=jnp.float32) * 0.05,
        'b1': jnp.zeros((CH[1],), dtype=jnp.float32),
        'g1': jnp.ones((CH[1],), dtype=jnp.float32),
        'be1': jnp.zeros((CH[1],), dtype=jnp.float32),
        'W2': jax.random.normal(ks[5], (CH[2], CH[1]), dtype=jnp.float32) * 0.05,
        'b2': jnp.zeros((CH[2],), dtype=jnp.float32),
        'g2': jnp.ones((CH[2],), dtype=jnp.float32),
        'be2': jnp.zeros((CH[2],), dtype=jnp.float32),
    }
    return inp


def _square_distance(src, dst):
    # src: [B, N, C], dst: [B, M, C] -> [B, N, M]
    d = -2.0 * jnp.einsum('bnc,bmc->bnm', src, dst)
    d = d + jnp.sum(src ** 2, axis=-1)[:, :, None]
    d = d + jnp.sum(dst ** 2, axis=-1)[:, None, :]
    return d


def _conv_bn_relu(x, W, b, g, be):
    # x: [B, C_in, N]; 1x1 conv == channel matmul
    y = jnp.einsum('oc,bcn->bon', W, x) + b[None, :, None]
    mean = jnp.mean(y, axis=(0, 2), keepdims=True)
    var = jnp.var(y, axis=(0, 2), keepdims=True)
    y = (y - mean) / jnp.sqrt(var + 1e-3)
    y = y * g[None, :, None] + be[None, :, None]
    return jax.nn.relu(y)


def reference(points1, points2, features1, features2, W1, b1, g1, be1, W2, b2, g2, be2):
    p1 = jnp.transpose(points1, (0, 2, 1))  # [B, N1, 3]
    p2 = jnp.transpose(points2, (0, 2, 1))  # [B, N2, 3]
    f1 = jnp.transpose(features1, (0, 2, 1))  # [B, N1, C1]
    dists = _square_distance(p2, p1)  # [B, N2, N1]
    neg_d, ind = jax.lax.top_k(-dists, 3)  # 3 smallest, ascending
    d3 = -neg_d
    d3 = jnp.maximum(d3, 1e-10)
    inv = 1.0 / d3
    norm = jnp.sum(inv, axis=2, keepdims=True)
    w = inv / norm  # [B, N2, 3]
    gathered = f1[jnp.arange(f1.shape[0])[:, None, None], ind]  # [B, N2, 3, C1]
    new_f = jnp.sum(gathered * w[..., None], axis=2)  # [B, N2, C1]
    new_f = jnp.transpose(new_f, (0, 2, 1))  # [B, C1, N2]
    x = jnp.concatenate([new_f, features2], axis=1)  # [B, C1+C2, N2]
    x = _conv_bn_relu(x, W1, b1, g1, be1)
    x = _conv_bn_relu(x, W2, b2, g2, be2)
    return x

if __name__ == "__main__":
    import jax
    _d = setup_inputs()
    print(jax.jit(kernel)(*tuple(_d.values())))

</pallas_src>

<mosaic_0001>
#map = affine_map<(d0, d1) -> (0, 0)>
#map1 = affine_map<(d0, d1) -> (0)>
module attributes {stable_mosaic.version = 14 : i64} {
  func.func @body(%arg0: i32, %arg1: i32, %arg2: memref<16384x256xf32, #tpu.memory_space<hbm>>, %arg3: memref<65536xi32, #tpu.memory_space<hbm>>, %arg4: memref<65536xi32, #tpu.memory_space<hbm>>, %arg5: memref<65536xi32, #tpu.memory_space<hbm>>, %arg6: memref<65536x256xf32, #tpu.memory_space<hbm>>, %arg7: memref<65536x256xf32, #tpu.memory_space<hbm>>, %arg8: memref<65536x256xf32, #tpu.memory_space<hbm>>, %arg9: memref<128xi32, #tpu.memory_space<vmem>>, %arg10: memref<128xi32, #tpu.memory_space<vmem>>, %arg11: memref<128xi32, #tpu.memory_space<vmem>>, %arg12: memref<128x256xf32, #tpu.memory_space<vmem>>, %arg13: memref<128x256xf32, #tpu.memory_space<vmem>>, %arg14: memref<128x256xf32, #tpu.memory_space<vmem>>, %arg15: memref<!tpu.dma_semaphore, #tpu.memory_space<semaphore_mem>>) attributes {dimension_semantics = [#tpu.dimension_semantics<core_parallel>, #tpu.dimension_semantics<subcore_parallel>], iteration_bounds = array<i64: 2, 16>, scalar_prefetch = 0 : i64, scratch_operands = 7 : i64, tpu.core_type = #tpu.core_type<sc_vector_subcore>, window_params = [{transform_indices = #map}, {transform_indices = #map1}, {transform_indices = #map1}, {transform_indices = #map1}, {transform_indices = #map}, {transform_indices = #map}, {transform_indices = #map}]} {
    %mul3A = arith.constant 2 : i32
    %mul3A_0 = arith.muli %arg1, %mul3A : i32
    %add3A = arith.addi %mul3A_0, %arg0 : i32
    %scan3A = arith.constant 0 : i32
    %scan3A_1 = arith.constant 0 : i32
    %scan3A_2 = arith.constant 16 : i32
    %scan3A_3 = arith.addi %scan3A_1, %scan3A_2 : i32
    %scan3A_4 = arith.constant 1 : i32
    scf.for %scan3A_6 = %scan3A_1 to %scan3A_3 step %scan3A_4  : i32 {
      %mul3A_7 = arith.constant 2048 : i32
      %mul3A_8 = arith.muli %add3A, %mul3A_7 : i32
      %mul3A_9 = arith.constant 128 : i32
      %mul3A_10 = arith.muli %scan3A_6, %mul3A_9 : i32
      %add3A_11 = arith.addi %mul3A_8, %mul3A_10 : i32
      "tpu.region"() ({
        %run_scoped3A = tpu.sem_alloc : memref<!tpu.dma_semaphore, #tpu.memory_space<semaphore_mem>>
        %dma_start3A_28 = tpu.memref_slice %arg3[%add3A_11] : memref<65536xi32, #tpu.memory_space<hbm>> -> memref<128xi32, #tpu.memory_space<hbm>>
        %dma_start3A_29 = tpu.memref_slice %arg3[%add3A_11] : memref<65536xi32, #tpu.memory_space<hbm>> -> memref<128xi32, #tpu.memory_space<hbm>>
        tpu.enqueue_dma source(%dma_start3A_29 : memref<128xi32, #tpu.memory_space<hbm>>) target(%arg9 : memref<128xi32, #tpu.memory_space<vmem>>) target_semaphore(%run_scoped3A : memref<!tpu.dma_semaphore, #tpu.memory_space<semaphore_mem>>)
        %dma_wait3A_30 = tpu.memref_slice %arg3[%add3A_11] : memref<65536xi32, #tpu.memory_space<hbm>> -> memref<128xi32, #tpu.memory_space<hbm>>
        %dma_wait3A_31 = tpu.memref_slice %arg3[%add3A_11] : memref<65536xi32, #tpu.memory_space<hbm>> -> memref<128xi32, #tpu.memory_space<hbm>>
        tpu.wait_dma2 semaphore(%run_scoped3A : memref<!tpu.dma_semaphore, #tpu.memory_space<semaphore_mem>>) src(%dma_wait3A_31 : memref<128xi32, #tpu.memory_space<hbm>>) dst(%arg9 : memref<128xi32, #tpu.memory_space<vmem>>)
        tpu.yield
      }) : () -> ()
      "tpu.region"() ({
        %run_scoped3A = tpu.sem_alloc : memref<!tpu.dma_semaphore, #tpu.memory_space<semaphore_mem>>
        %dma_start3A_28 = tpu.memref_slice %arg4[%add3A_11] : memref<65536xi32, #tpu.memory_space<hbm>> -> memref<128xi32, #tpu.memory_space<hbm>>
        %dma_start3A_29 = tpu.memref_slice %arg4[%add3A_11] : memref<65536xi32, #tpu.memory_space<hbm>> -> memref<128xi32, #tpu.memory_space<hbm>>
        tpu.enqueue_dma source(%dma_start3A_29 : memref<128xi32, #tpu.memory_space<hbm>>) target(%arg10 : memref<128xi32, #tpu.memory_space<vmem>>) target_semaphore(%run_scoped3A : memref<!tpu.dma_semaphore, #tpu.memory_space<semaphore_mem>>)
        %dma_wait3A_30 = tpu.memref_slice %arg4[%add3A_11] : memref<65536xi32, #tpu.memory_space<hbm>> -> memref<128xi32, #tpu.memory_space<hbm>>
        %dma_wait3A_31 = tpu.memref_slice %arg4[%add3A_11] : memref<65536xi32, #tpu.memory_space<hbm>> -> memref<128xi32, #tpu.memory_space<hbm>>
        tpu.wait_dma2 semaphore(%run_scoped3A : memref<!tpu.dma_semaphore, #tpu.memory_space<semaphore_mem>>) src(%dma_wait3A_31 : memref<128xi32, #tpu.memory_space<hbm>>) dst(%arg10 : memref<128xi32, #tpu.memory_space<vmem>>)
        tpu.yield
      }) : () -> ()
      "tpu.region"() ({
        %run_scoped3A = tpu.sem_alloc : memref<!tpu.dma_semaphore, #tpu.memory_space<semaphore_mem>>
        %dma_start3A_28 = tpu.memref_slice %arg5[%add3A_11] : memref<65536xi32, #tpu.memory_space<hbm>> -> memref<128xi32, #tpu.memory_space<hbm>>
        %dma_start3A_29 = tpu.memref_slice %arg5[%add3A_11] : memref<65536xi32, #tpu.memory_space<hbm>> -> memref<128xi32, #tpu.memory_space<hbm>>
        tpu.enqueue_dma source(%dma_start3A_29 : memref<128xi32, #tpu.memory_space<hbm>>) target(%arg11 : memref<128xi32, #tpu.memory_space<vmem>>) target_semaphore(%run_scoped3A : memref<!tpu.dma_semaphore, #tpu.memory_space<semaphore_mem>>)
        %dma_wait3A_30 = tpu.memref_slice %arg5[%add3A_11] : memref<65536xi32, #tpu.memory_space<hbm>> -> memref<128xi32, #tpu.memory_space<hbm>>
        %dma_wait3A_31 = tpu.memref_slice %arg5[%add3A_11] : memref<65536xi32, #tpu.memory_space<hbm>> -> memref<128xi32, #tpu.memory_space<hbm>>
        tpu.wait_dma2 semaphore(%run_scoped3A : memref<!tpu.dma_semaphore, #tpu.memory_space<semaphore_mem>>) src(%dma_wait3A_31 : memref<128xi32, #tpu.memory_space<hbm>>) dst(%arg11 : memref<128xi32, #tpu.memory_space<vmem>>)
        tpu.yield
      }) : () -> ()
      %dma_start3A = arith.constant 0 : i32
      %dma_start3A_12 = arith.constant 0 : i32
      %dma_start3A_13 = tpu.memref_slice %arg2[%dma_start3A, %dma_start3A_12] : memref<16384x256xf32, #tpu.memory_space<hbm>> -> memref<16384x256xf32, #tpu.memory_space<hbm>>
      tpu.enqueue_indirect_dma source(%dma_start3A_13 : memref<16384x256xf32, #tpu.memory_space<hbm>>) target(%arg12 : memref<128x256xf32, #tpu.memory_space<vmem>>) offsets(%arg9 : memref<128xi32, #tpu.memory_space<vmem>>) semaphore(%arg15 : memref<!tpu.dma_semaphore, #tpu.memory_space<semaphore_mem>>)
      %dma_start3A_14 = arith.constant 0 : i32
      %dma_start3A_15 = arith.constant 0 : i32
      %dma_start3A_16 = tpu.memref_slice %arg2[%dma_start3A_14, %dma_start3A_15] : memref<16384x256xf32, #tpu.memory_space<hbm>> -> memref<16384x256xf32, #tpu.memory_space<hbm>>
      tpu.enqueue_indirect_dma source(%dma_start3A_16 : memref<16384x256xf32, #tpu.memory_space<hbm>>) target(%arg13 : memref<128x256xf32, #tpu.memory_space<vmem>>) offsets(%arg10 : memref<128xi32, #tpu.memory_space<vmem>>) semaphore(%arg15 : memref<!tpu.dma_semaphore, #tpu.memory_space<semaphore_mem>>)
      %dma_start3A_17 = arith.constant 0 : i32
      %dma_start3A_18 = arith.constant 0 : i32
      %dma_start3A_19 = tpu.memref_slice %arg2[%dma_start3A_17, %dma_start3A_18] : memref<16384x256xf32, #tpu.memory_space<hbm>> -> memref<16384x256xf32, #tpu.memory_space<hbm>>
      tpu.enqueue_indirect_dma source(%dma_start3A_19 : memref<16384x256xf32, #tpu.memory_space<hbm>>) target(%arg14 : memref<128x256xf32, #tpu.memory_space<vmem>>) offsets(%arg11 : memref<128xi32, #tpu.memory_space<vmem>>) semaphore(%arg15 : memref<!tpu.dma_semaphore, #tpu.memory_space<semaphore_mem>>)
      %dma_wait3A = arith.constant 0 : i32
      %dma_wait3A_20 = arith.constant 0 : i32
      %dma_wait3A_21 = tpu.memref_slice %arg2[%dma_wait3A, %dma_wait3A_20] : memref<16384x256xf32, #tpu.memory_space<hbm>> -> memref<16384x256xf32, #tpu.memory_space<hbm>>
      tpu.wait_indirect_dma semaphore(%arg15 : memref<!tpu.dma_semaphore, #tpu.memory_space<semaphore_mem>>) src(%dma_wait3A_21 : memref<16384x256xf32, #tpu.memory_space<hbm>>) dst(%arg12 : memref<128x256xf32, #tpu.memory_space<vmem>>)
      %dma_wait3A_22 = arith.constant 0 : i32
      %dma_wait3A_23 = arith.constant 0 : i32
      %dma_wait3A_24 = tpu.memref_slice %arg2[%dma_wait3A_22, %dma_wait3A_23] : memref<16384x256xf32, #tpu.memory_space<hbm>> -> memref<16384x256xf32, #tpu.memory_space<hbm>>
      tpu.wait_indirect_dma semaphore(%arg15 : memref<!tpu.dma_semaphore, #tpu.memory_space<semaphore_mem>>) src(%dma_wait3A_24 : memref<16384x256xf32, #tpu.memory_space<hbm>>) dst(%arg13 : memref<128x256xf32, #tpu.memory_space<vmem>>)
      %dma_wait3A_25 = arith.constant 0 : i32
      %dma_wait3A_26 = arith.constant 0 : i32
      %dma_wait3A_27 = tpu.memref_slice %arg2[%dma_wait3A_25, %dma_wait3A_26] : memref<16384x256xf32, #tpu.memory_space<hbm>> -> memref<16384x256xf32, #tpu.memory_space<hbm>>
      tpu.wait_indirect_dma semaphore(%arg15 : memref<!tpu.dma_semaphore, #tpu.memory_space<semaphore_mem>>) src(%dma_wait3A_27 : memref<16384x256xf32, #tpu.memory_space<hbm>>) dst(%arg14 : memref<128x256xf32, #tpu.memory_space<vmem>>)
      "tpu.region"() ({
        %run_scoped3A = tpu.sem_alloc : memref<!tpu.dma_semaphore, #tpu.memory_space<semaphore_mem>>
        %dma_start3A_28 = arith.constant 0 : i32
        %dma_start3A_29 = tpu.memref_slice %arg6[%add3A_11, %dma_start3A_28] : memref<65536x256xf32, #tpu.memory_space<hbm>> -> memref<128x256xf32, #tpu.memory_space<hbm>>
        %dma_start3A_30 = arith.constant 0 : i32
        %dma_start3A_31 = tpu.memref_slice %arg6[%add3A_11, %dma_start3A_30] : memref<65536x256xf32, #tpu.memory_space<hbm>> -> memref<128x256xf32, #tpu.memory_space<hbm>>
        tpu.enqueue_dma source(%arg12 : memref<128x256xf32, #tpu.memory_space<vmem>>) target(%dma_start3A_31 : memref<128x256xf32, #tpu.memory_space<hbm>>) target_semaphore(%run_scoped3A : memref<!tpu.dma_semaphore, #tpu.memory_space<semaphore_mem>>)
        %dma_wait3A_32 = arith.constant 0 : i32
        %dma_wait3A_33 = tpu.memref_slice %arg6[%add3A_11, %dma_wait3A_32] : memref<65536x256xf32, #tpu.memory_space<hbm>> -> memref<128x256xf32, #tpu.memory_space<hbm>>
        %dma_wait3A_34 = arith.constant 0 : i32
        %dma_wait3A_35 = tpu.memref_slice %arg6[%add3A_11, %dma_wait3A_34] : memref<65536x256xf32, #tpu.memory_space<hbm>> -> memref<128x256xf32, #tpu.memory_space<hbm>>
        tpu.wait_dma2 semaphore(%run_scoped3A : memref<!tpu.dma_semaphore, #tpu.memory_space<semaphore_mem>>) src(%arg12 : memref<128x256xf32, #tpu.memory_space<vmem>>) dst(%dma_wait3A_35 : memref<128x256xf32, #tpu.memory_space<hbm>>)
        tpu.yield
      }) : () -> ()
      "tpu.region"() ({
        %run_scoped3A = tpu.sem_alloc : memref<!tpu.dma_semaphore, #tpu.memory_space<semaphore_mem>>
        %dma_start3A_28 = arith.constant 0 : i32
        %dma_start3A_29 = tpu.memref_slice %arg7[%add3A_11, %dma_start3A_28] : memref<65536x256xf32, #tpu.memory_space<hbm>> -> memref<128x256xf32, #tpu.memory_space<hbm>>
        %dma_start3A_30 = arith.constant 0 : i32
        %dma_start3A_31 = tpu.memref_slice %arg7[%add3A_11, %dma_start3A_30] : memref<65536x256xf32, #tpu.memory_space<hbm>> -> memref<128x256xf32, #tpu.memory_space<hbm>>
        tpu.enqueue_dma source(%arg13 : memref<128x256xf32, #tpu.memory_space<vmem>>) target(%dma_start3A_31 : memref<128x256xf32, #tpu.memory_space<hbm>>) target_semaphore(%run_scoped3A : memref<!tpu.dma_semaphore, #tpu.memory_space<semaphore_mem>>)
        %dma_wait3A_32 = arith.constant 0 : i32
        %dma_wait3A_33 = tpu.memref_slice %arg7[%add3A_11, %dma_wait3A_32] : memref<65536x256xf32, #tpu.memory_space<hbm>> -> memref<128x256xf32, #tpu.memory_space<hbm>>
        %dma_wait3A_34 = arith.constant 0 : i32
        %dma_wait3A_35 = tpu.memref_slice %arg7[%add3A_11, %dma_wait3A_34] : memref<65536x256xf32, #tpu.memory_space<hbm>> -> memref<128x256xf32, #tpu.memory_space<hbm>>
        tpu.wait_dma2 semaphore(%run_scoped3A : memref<!tpu.dma_semaphore, #tpu.memory_space<semaphore_mem>>) src(%arg13 : memref<128x256xf32, #tpu.memory_space<vmem>>) dst(%dma_wait3A_35 : memref<128x256xf32, #tpu.memory_space<hbm>>)
        tpu.yield
      }) : () -> ()
      "tpu.region"() ({
        %run_scoped3A = tpu.sem_alloc : memref<!tpu.dma_semaphore, #tpu.memory_space<semaphore_mem>>
        %dma_start3A_28 = arith.constant 0 : i32
        %dma_start3A_29 = tpu.memref_slice %arg8[%add3A_11, %dma_start3A_28] : memref<65536x256xf32, #tpu.memory_space<hbm>> -> memref<128x256xf32, #tpu.memory_space<hbm>>
        %dma_start3A_30 = arith.constant 0 : i32
        %dma_start3A_31 = tpu.memref_slice %arg8[%add3A_11, %dma_start3A_30] : memref<65536x256xf32, #tpu.memory_space<hbm>> -> memref<128x256xf32, #tpu.memory_space<hbm>>
        tpu.enqueue_dma source(%arg14 : memref<128x256xf32, #tpu.memory_space<vmem>>) target(%dma_start3A_31 : memref<128x256xf32, #tpu.memory_space<hbm>>) target_semaphore(%run_scoped3A : memref<!tpu.dma_semaphore, #tpu.memory_space<semaphore_mem>>)
        %dma_wait3A_32 = arith.constant 0 : i32
        %dma_wait3A_33 = tpu.memref_slice %arg8[%add3A_11, %dma_wait3A_32] : memref<65536x256xf32, #tpu.memory_space<hbm>> -> memref<128x256xf32, #tpu.memory_space<hbm>>
        %dma_wait3A_34 = arith.constant 0 : i32
        %dma_wait3A_35 = tpu.memref_slice %arg8[%add3A_11, %dma_wait3A_34] : memref<65536x256xf32, #tpu.memory_space<hbm>> -> memref<128x256xf32, #tpu.memory_space<hbm>>
        tpu.wait_dma2 semaphore(%run_scoped3A : memref<!tpu.dma_semaphore, #tpu.memory_space<semaphore_mem>>) src(%arg14 : memref<128x256xf32, #tpu.memory_space<vmem>>) dst(%dma_wait3A_35 : memref<128x256xf32, #tpu.memory_space<hbm>>)
        tpu.yield
      }) : () -> ()
    }
    %scan3A_5 = arith.constant 16 : i32
    return
  }
}

module attributes {stable_mosaic.version = 14 : i64} {
  func.func @_s1a_body(%arg0: i32, %arg1: i32, %arg2: memref<1x1024x3xf32, #tpu.memory_space<vmem>>, %arg3: memref<1x3x1024xf32, #tpu.memory_space<vmem>>, %arg4: memref<8x1024xi32, #tpu.memory_space<vmem>>, %arg5: memref<8x1024xf32, #tpu.memory_space<vmem>>) attributes {dimension_semantics = [#tpu.dimension_semantics<arbitrary>, #tpu.dimension_semantics<arbitrary>], iteration_bounds = array<i64: 16, 4>, scalar_prefetch = 0 : i64, scratch_operands = 0 : i64, tpu.core_type = #tpu.core_type<tc>, window_params = [{transform_indices = @transform_0, window_bounds = array<i64: 1, 1024, 3>}, {transform_indices = @transform_1, window_bounds = array<i64: 1, 3, 1024>}, {transform_indices = @transform_2, window_bounds = array<i64: 8, 1024>}, {transform_indices = @transform_3, window_bounds = array<i64: 8, 1024>}]} {
    %get3A = arith.constant 0 : index
    %get3A_0 = arith.constant 0 : index
    %get3A_1 = arith.constant 0 : index
    %get3A_2 = vector.load %arg2[%get3A, %get3A_0, %get3A_1] : memref<1x1024x3xf32, #tpu.memory_space<vmem>>, vector<1x1024x3xf32>
    %get3A_3 = vector.shape_cast %get3A_2 : vector<1x1024x3xf32> to vector<1024x3xf32>
    %get3A_4 = arith.constant 0 : index
    %get3A_5 = arith.constant 0 : index
    %get3A_6 = arith.constant 0 : index
    %get3A_7 = vector.load %arg3[%get3A_4, %get3A_5, %get3A_6] : memref<1x3x1024xf32, #tpu.memory_space<vmem>>, vector<1x3x1024xf32>
    %get3A_8 = vector.shape_cast %get3A_7 : vector<1x3x1024xf32> to vector<3x1024xf32>
    %mul3A = arith.mulf %get3A_3, %get3A_3 : vector<1024x3xf32>
    %reduce_sum3A = arith.constant dense<0.000000e+00> : vector<1024xf32>
    %reduce_sum3A_9 = vector.multi_reduction <add>, %mul3A, %reduce_sum3A [1] : vector<1024x3xf32> to vector<1024xf32>
    %broadcast_in_dim3A = vector.shape_cast %reduce_sum3A_9 : vector<1024xf32> to vector<1024x1xf32>
    %mul3A_10 = arith.mulf %get3A_8, %get3A_8 : vector<3x1024xf32>
    %reduce_sum3A_11 = arith.constant dense<0.000000e+00> : vector<1024xf32>
    %reduce_sum3A_12 = vector.multi_reduction <add>, %mul3A_10, %reduce_sum3A_11 [0] : vector<3x1024xf32> to vector<1024xf32>
    %broadcast_in_dim3A_13 = vector.shape_cast %reduce_sum3A_12 : vector<1024xf32> to vector<1x1024xf32>
    %dot_general3A = arith.constant dense<0.000000e+00> : vector<1024x1024xf32>
    %dot_general3A_14 = tpu.matmul %get3A_3, %get3A_8, %dot_general3A {dimension_numbers = #tpu.dot_dimension_numbers<[1], [0], [0], [1], [0, 0, 1, 1], [], []>, transpose_lhs_hint = false} : vector<1024x3xf32>, vector<3x1024xf32>, vector<1024x1024xf32> -> vector<1024x1024xf32>
    %mul3A_15 = arith.constant -2.000000e+00 : f32
    %mul3A_16 = vector.broadcast %mul3A_15 : f32 to vector<1024x1024xf32>
    %mul3A_17 = arith.mulf %mul3A_16, %dot_general3A_14 : vector<1024x1024xf32>
    %add3A = vector.broadcast %broadcast_in_dim3A_13 : vector<1x1024xf32> to vector<1024x1024xf32>
    %add3A_18 = arith.addf %mul3A_17, %add3A : vector<1024x1024xf32>
    %add3A_19 = vector.broadcast %broadcast_in_dim3A : vector<1024x1xf32> to vector<1024x1024xf32>
    %add3A_20 = arith.addf %add3A_18, %add3A_19 : vector<1024x1024xf32>
    %iota3A = tpu.iota {dimensions = array<i32: 0>} : vector<1024x1024xi32>
    %reduce_min3A = arith.constant dense<0x7F800000> : vector<1024xf32>
    %reduce_min3A_21 = vector.multi_reduction <minimumf>, %add3A_20, %reduce_min3A [0] : vector<1024x1024xf32> to vector<1024xf32>
    %broadcast_in_dim3A_22 = vector.shape_cast %reduce_min3A_21 : vector<1024xf32> to vector<1x1024xf32>
    %eq3A = vector.broadcast %broadcast_in_dim3A_22 : vector<1x1024xf32> to vector<1024x1024xf32>
    %eq3A_23 = arith.cmpf oeq, %add3A_20, %eq3A : vector<1024x1024xf32>
    %jit3A = arith.constant 0x7F800000 : f32
    %broadcast_in_dim3A_24 = vector.broadcast %jit3A : f32 to vector<1024x1024xf32>
    %select_n3A = arith.select %eq3A_23, %broadcast_in_dim3A_24, %add3A_20 : vector<1024x1024xi1>, vector<1024x1024xf32>
    %reduce_min3A_25 = arith.constant dense<0x7F800000> : vector<1024xf32>
    %reduce_min3A_26 = vector.multi_reduction <minimumf>, %select_n3A, %reduce_min3A_25 [0] : vector<1024x1024xf32> to vector<1024xf32>
    %broadcast_in_dim3A_27 = vector.shape_cast %reduce_min3A_26 : vector<1024xf32> to vector<1x1024xf32>
    %eq3A_28 = vector.broadcast %broadcast_in_dim3A_27 : vector<1x1024xf32> to vector<1024x1024xf32>
    %eq3A_29 = arith.cmpf oeq, %select_n3A, %eq3A_28 : vector<1024x1024xf32>
    %jit3A_30 = arith.constant 0x7F800000 : f32
    %broadcast_in_dim3A_31 = vector.broadcast %jit3A_30 : f32 to vector<1024x1024xf32>
    %select_n3A_32 = arith.select %eq3A_29, %broadcast_in_dim3A_31, %select_n3A : vector<1024x1024xi1>, vector<1024x1024xf32>
    %reduce_min3A_33 = arith.constant dense<0x7F800000> : vector<1024xf32>
    %reduce_min3A_34 = vector.multi_reduction <minimumf>, %select_n3A_32, %reduce_min3A_33 [0] : vector<1024x1024xf32> to vector<1024xf32>
    %broadcast_in_dim3A_35 = vector.shape_cast %reduce_min3A_34 : vector<1024xf32> to vector<1x1024xf32>
    %eq3A_36 = vector.broadcast %broadcast_in_dim3A_35 : vector<1x1024xf32> to vector<1024x1024xf32>
    %eq3A_37 = arith.cmpf oeq, %select_n3A_32, %eq3A_36 : vector<1024x1024xf32>
    %jit3A_38 = arith.constant 1024 : i32
    %broadcast_in_dim3A_39 = vector.broadcast %jit3A_38 : i32 to vector<1024x1024xi32>
    %select_n3A_40 = arith.select %eq3A_23, %iota3A, %broadcast_in_dim3A_39 : vector<1024x1024xi1>, vector<1024x1024xi32>
    %reduce_min3A_41 = arith.constant dense<2147483647> : vector<1024xi32>
    %reduce_min3A_42 = vector.multi_reduction <minsi>, %select_n3A_40, %reduce_min3A_41 [0] : vector<1024x1024xi32> to vector<1024xi32>
    %broadcast_in_dim3A_43 = vector.shape_cast %reduce_min3A_42 : vector<1024xi32> to vector<1x1024xi32>
    %jit3A_44 = arith.constant 1024 : i32
    %broadcast_in_dim3A_45 = vector.broadcast %jit3A_44 : i32 to vector<1024x1024xi32>
    %select_n3A_46 = arith.select %eq3A_29, %iota3A, %broadcast_in_dim3A_45 : vector<1024x1024xi1>, vector<1024x1024xi32>
    %reduce_min3A_47 = arith.constant dense<2147483647> : vector<1024xi32>
    %reduce_min3A_48 = vector.multi_reduction <minsi>, %select_n3A_46, %reduce_min3A_47 [0] : vector<1024x1024xi32> to vector<1024xi32>
    %broadcast_in_dim3A_49 = vector.shape_cast %reduce_min3A_48 : vector<1024xi32> to vector<1x1024xi32>
    %jit3A_50 = arith.constant 1024 : i32
    %broadcast_in_dim3A_51 = vector.broadcast %jit3A_50 : i32 to vector<1024x1024xi32>
    %select_n3A_52 = arith.select %eq3A_37, %iota3A, %broadcast_in_dim3A_51 : vector<1024x1024xi1>, vector<1024x1024xi32>
    %reduce_min3A_53 = arith.constant dense<2147483647> : vector<1024xi32>
    %reduce_min3A_54 = vector.multi_reduction <minsi>, %select_n3A_52, %reduce_min3A_53 [0] : vector<1024x1024xi32> to vector<1024xi32>
    %broadcast_in_dim3A_55 = vector.shape_cast %reduce_min3A_54 : vector<1024xi32> to vector<1x1024xi32>
    %mul3A_56 = arith.constant 1024 : i32
    %mul3A_57 = arith.muli %arg0, %mul3A_56 : i32
    %broadcast_in_dim3A_58 = arith.constant 0 : i32
    %broadcast_in_dim3A_59 = vector.broadcast %broadcast_in_dim3A_58 : i32 to vector<5x1024xi32>
    %add3A_60 = vector.broadcast %mul3A_57 : i32 to vector<1x1024xi32>
    %add3A_61 = arith.addi %broadcast_in_dim3A_43, %add3A_60 : vector<1x1024xi32>
    %add3A_62 = vector.broadcast %mul3A_57 : i32 to vector<1x1024xi32>
    %add3A_63 = arith.addi %broadcast_in_dim3A_49, %add3A_62 : vector<1x1024xi32>
    %add3A_64 = vector.broadcast %mul3A_57 : i32 to vector<1x1024xi32>
    %add3A_65 = arith.addi %broadcast_in_dim3A_55, %add3A_64 : vector<1x1024xi32>
    %concatenate3A = tpu.concatenate %add3A_61, %add3A_63, %add3A_65, %broadcast_in_dim3A_59 in 0 : vector<1x1024xi32>, vector<1x1024xi32>, vector<1x1024xi32>, vector<5x1024xi32> -> vector<8x1024xi32>
    %swap3A = arith.constant 0 : index
    %swap3A_66 = arith.constant 0 : index
    %swap3A_67 = vector.load %arg4[%swap3A, %swap3A_66] : memref<8x1024xi32, #tpu.memory_space<vmem>>, vector<8x1024xi32>
    tpu.vector_store %arg4[%swap3A, %swap3A_66], %concatenate3A {strides = array<i32>} : memref<8x1024xi32, #tpu.memory_space<vmem>>, vector<8x1024xi32>,
    %max3A = arith.constant 1.000000e-10 : f32
    %max3A_68 = vector.broadcast %max3A : f32 to vector<1x1024xf32>
    %max3A_69 = arith.maximumf %broadcast_in_dim3A_22, %max3A_68 : vector<1x1024xf32>
    %div3A = arith.constant 1.000000e+00 : f32
    %div3A_70 = vector.broadcast %div3A : f32 to vector<1x1024xf32>
    %div3A_71 = arith.divf %div3A_70, %max3A_69 : vector<1x1024xf32>
    %max3A_72 = arith.constant 1.000000e-10 : f32
    %max3A_73 = vector.broadcast %max3A_72 : f32 to vector<1x1024xf32>
    %max3A_74 = arith.maximumf %broadcast_in_dim3A_27, %max3A_73 : vector<1x1024xf32>
    %div3A_75 = arith.constant 1.000000e+00 : f32
    %div3A_76 = vector.broadcast %div3A_75 : f32 to vector<1x1024xf32>
    %div3A_77 = arith.divf %div3A_76, %max3A_74 : vector<1x1024xf32>
    %max3A_78 = arith.constant 1.000000e-10 : f32
    %max3A_79 = vector.broadcast %max3A_78 : f32 to vector<1x1024xf32>
    %max3A_80 = arith.maximumf %broadcast_in_dim3A_35, %max3A_79 : vector<1x1024xf32>
    %div3A_81 = arith.constant 1.000000e+00 : f32
    %div3A_82 = vector.broadcast %div3A_81 : f32 to vector<1x1024xf32>
    %div3A_83 = arith.divf %div3A_82, %max3A_80 : vector<1x1024xf32>
    %add3A_84 = arith.addf %div3A_71, %div3A_77 : vector<1x1024xf32>
    %add3A_85 = arith.addf %add3A_84, %div3A_83 : vector<1x1024xf32>
    %div3A_86 = arith.constant 1.000000e+00 : f32
    %div3A_87 = vector.broadcast %div3A_86 : f32 to vector<1x1024xf32>
    %div3A_88 = arith.divf %div3A_87, %add3A_85 : vector<1x1024xf32>
    %broadcast_in_dim3A_89 = arith.constant 0.000000e+00 : f32
    %broadcast_in_dim3A_90 = vector.broadcast %broadcast_in_dim3A_89 : f32 to vector<5x1024xf32>
    %mul3A_91 = arith.mulf %div3A_71, %div3A_88 : vector<1x1024xf32>
    %mul3A_92 = arith.mulf %div3A_77, %div3A_88 : vector<1x1024xf32>
    %mul3A_93 = arith.mulf %div3A_83, %div3A_88 : vector<1x1024xf32>
    %concatenate3A_94 = tpu.concatenate %mul3A_91, %mul3A_92, %mul3A_93, %broadcast_in_dim3A_90 in 0 : vector<1x1024xf32>, vector<1x1024xf32>, vector<1x1024xf32>, vector<5x1024xf32> -> vector<8x1024xf32>
    %swap3A_95 = arith.constant 0 : index
    %swap3A_96 = arith.constant 0 : index
    %swap3A_97 = vector.load %arg5[%swap3A_95, %swap3A_96] : memref<8x1024xf32, #tpu.memory_space<vmem>>, vector<8x1024xf32>
    tpu.vector_store %arg5[%swap3A_95, %swap3A_96], %concatenate3A_94 {strides = array<i32>} : memref<8x1024xf32, #tpu.memory_space<vmem>>, vector<8x1024xf32>,
    return
  }
  func.func @transform_0(%arg0: i32, %arg1: i32) -> (i32, i32, i32) {
    %c0_i32 = arith.constant 0 : i32
    %c0_i32_0 = arith.constant 0 : i32
    %c0_i32_1 = arith.constant 0 : i32
    return %arg0, %c0_i32, %c0_i32_0 : i32, i32, i32
  }
  func.func @transform_1(%arg0: i32, %arg1: i32) -> (i32, i32, i32) {
    %c0_i32 = arith.constant 0 : i32
    %c0_i32_0 = arith.constant 0 : i32
    return %arg0, %c0_i32, %arg1 : i32, i32, i32
  }
  func.func @transform_2(%arg0: i32, %arg1: i32) -> (i32, i32) {
    %mul3A = arith.constant 4 : i32
    %mul3A_0 = arith.muli %arg0, %mul3A : i32
    %add3A = arith.addi %mul3A_0, %arg1 : i32
    %c0_i32 = arith.constant 0 : i32
    %c0_i32_1 = arith.constant 0 : i32
    return %c0_i32, %add3A : i32, i32
  }
  func.func @transform_3(%arg0: i32, %arg1: i32) -> (i32, i32) {
    %mul3A = arith.constant 4 : i32
    %mul3A_0 = arith.muli %arg0, %mul3A : i32
    %add3A = arith.addi %mul3A_0, %arg1 : i32
    %c0_i32 = arith.constant 0 : i32
    %c0_i32_1 = arith.constant 0 : i32
    return %c0_i32, %add3A : i32, i32
  }
}

module attributes {stable_mosaic.version = 14 : i64} {
  func.func @_k0_body(%arg0: i32, %arg1: memref<1x1024x256xf32, #tpu.memory_space<vmem>>, %arg2: memref<256x256xf32, #tpu.memory_space<vmem>>, %arg3: memref<1x1024x256xf32, #tpu.memory_space<vmem>>) attributes {dimension_semantics = [#tpu.dimension_semantics<arbitrary>], iteration_bounds = array<i64: 16>, scalar_prefetch = 0 : i64, scratch_operands = 0 : i64, tpu.core_type = #tpu.core_type<tc>, window_params = [{transform_indices = @transform_0, window_bounds = array<i64: 1, 1024, 256>}, {pipeline_mode = #tpu.pipeline_mode<synchronous>, transform_indices = @transform_1, window_bounds = array<i64: 256, 256>}, {transform_indices = @transform_2, window_bounds = array<i64: 1, 1024, 256>}]} {
    %get3A = arith.constant 0 : index
    %get3A_0 = arith.constant 0 : index
    %get3A_1 = arith.constant 0 : index
    %get3A_2 = vector.load %arg1[%get3A, %get3A_0, %get3A_1] : memref<1x1024x256xf32, #tpu.memory_space<vmem>>, vector<1x1024x256xf32>
    %get3A_3 = vector.shape_cast %get3A_2 : vector<1x1024x256xf32> to vector<1024x256xf32>
    %get3A_4 = arith.constant 0 : index
    %get3A_5 = arith.constant 0 : index
    %get3A_6 = vector.load %arg2[%get3A_4, %get3A_5] : memref<256x256xf32, #tpu.memory_space<vmem>>, vector<256x256xf32>
    %dot_general3A = arith.constant dense<0.000000e+00> : vector<1024x256xf32>
    %dot_general3A_7 = tpu.matmul %get3A_3, %get3A_6, %dot_general3A {dimension_numbers = #tpu.dot_dimension_numbers<[1], [0], [0], [1], [0, 0, 1, 1], [], []>, transpose_lhs_hint = false} : vector<1024x256xf32>, vector<256x256xf32>, vector<1024x256xf32> -> vector<1024x256xf32>
    %swap3A = arith.constant 0 : index
    %swap3A_8 = arith.constant 0 : index
    %swap3A_9 = arith.constant 0 : index
    %swap3A_10 = vector.load %arg3[%swap3A, %swap3A_8, %swap3A_9] : memref<1x1024x256xf32, #tpu.memory_space<vmem>>, vector<1x1024x256xf32>
    %swap3A_11 = vector.shape_cast %swap3A_10 : vector<1x1024x256xf32> to vector<1024x256xf32>
    %swap3A_12 = vector.shape_cast %dot_general3A_7 : vector<1024x256xf32> to vector<1x1024x256xf32>
    tpu.vector_store %arg3[%swap3A, %swap3A_8, %swap3A_9], %swap3A_12 {strides = array<i32>} : memref<1x1024x256xf32, #tpu.memory_space<vmem>>, vector<1x1024x256xf32>,
    return
  }
  func.func @transform_0(%arg0: i32) -> (i32, i32, i32) {
    %c0_i32 = arith.constant 0 : i32
    %c0_i32_0 = arith.constant 0 : i32
    %c0_i32_1 = arith.constant 0 : i32
    return %arg0, %c0_i32, %c0_i32_0 : i32, i32, i32
  }
  func.func @transform_1(%arg0: i32) -> (i32, i32) {
    %c0_i32 = arith.constant 0 : i32
    %c0_i32_0 = arith.constant 0 : i32
    %c0_i32_1 = arith.constant 0 : i32
    return %c0_i32, %c0_i32_0 : i32, i32
  }
  func.func @transform_2(%arg0: i32) -> (i32, i32, i32) {
    %c0_i32 = arith.constant 0 : i32
    %c0_i32_0 = arith.constant 0 : i32
    %c0_i32_1 = arith.constant 0 : i32
    return %arg0, %c0_i32, %c0_i32_0 : i32, i32, i32
  }
}

module attributes {stable_mosaic.version = 14 : i64} {
  func.func @_s2q_body(%arg0: i32, %arg1: i32, %arg2: memref<1x1024x256xf32, #tpu.memory_space<vmem>>, %arg3: memref<8x256xf32, #tpu.memory_space<vmem>>, %arg4: memref<1x256xf32, #tpu.memory_space<vmem>>, %arg5: memref<1x256xf32, #tpu.memory_space<vmem>>, %arg6: memref<256x256xf32, #tpu.memory_space<vmem>>, %arg7: memref<1x256xf32, #tpu.memory_space<vmem>>, %arg8: memref<1x1024x256xf32, #tpu.memory_space<vmem>>, %arg9: memref<8x256xf32, #tpu.memory_space<vmem>>) attributes {dimension_semantics = [#tpu.dimension_semantics<arbitrary>, #tpu.dimension_semantics<arbitrary>], iteration_bounds = array<i64: 16, 4>, scalar_prefetch = 0 : i64, scratch_operands = 0 : i64, tpu.core_type = #tpu.core_type<tc>, window_params = [{transform_indices = @transform_0, window_bounds = array<i64: 1, 1024, 256>}, {pipeline_mode = #tpu.pipeline_mode<synchronous>, transform_indices = @transform_1, window_bounds = array<i64: 8, 256>}, {pipeline_mode = #tpu.pipeline_mode<synchronous>, transform_indices = @transform_2, window_bounds = array<i64: 1, 256>}, {pipeline_mode = #tpu.pipeline_mode<synchronous>, transform_indices = @transform_3, window_bounds = array<i64: 1, 256>}, {pipeline_mode = #tpu.pipeline_mode<synchronous>, transform_indices = @transform_4, window_bounds = array<i64: 256, 256>}, {pipeline_mode = #tpu.pipeline_mode<synchronous>, transform_indices = @transform_5, window_bounds = array<i64: 1, 256>}, {transform_indices = @transform_6, window_bounds = array<i64: 1, 1024, 256>}, {pipeline_mode = #tpu.pipeline_mode<synchronous>, transform_indices = @transform_7, window_bounds = array<i64: 8, 256>}]} {
    %get3A = arith.constant 0 : index
    %get3A_0 = arith.constant 0 : index
    %get3A_1 = vector.load %arg3[%get3A, %get3A_0] : memref<8x256xf32, #tpu.memory_space<vmem>>, vector<1x256xf32>
    %div3A = arith.constant 6.553600e+04 : f32
    %div3A_2 = vector.broadcast %div3A : f32 to vector<1x256xf32>
    %div3A_3 = arith.divf %get3A_1, %div3A_2 : vector<1x256xf32>
    %get3A_4 = arith.constant 1 : index
    %get3A_5 = arith.constant 0 : index
    %get3A_6 = vector.load %arg3[%get3A_4, %get3A_5] : memref<8x256xf32, #tpu.memory_space<vmem>>, vector<1x256xf32>
    %div3A_7 = arith.constant 6.553600e+04 : f32
    %div3A_8 = vector.broadcast %div3A_7 : f32 to vector<1x256xf32>
    %div3A_9 = arith.divf %get3A_6, %div3A_8 : vector<1x256xf32>
    %mul3A = arith.mulf %div3A_3, %div3A_3 : vector<1x256xf32>
    %sub3A = arith.subf %div3A_9, %mul3A : vector<1x256xf32>
    %get3A_10 = arith.constant 0 : index
    %get3A_11 = arith.constant 0 : index
    %get3A_12 = vector.load %arg4[%get3A_10, %get3A_11] : memref<1x256xf32, #tpu.memory_space<vmem>>, vector<1x256xf32>
    %add3A = arith.constant 1.000000e-03 : f32
    %add3A_13 = vector.broadcast %add3A : f32 to vector<1x256xf32>
    %add3A_14 = arith.addf %sub3A, %add3A_13 : vector<1x256xf32>
    %rsqrt3A = math.rsqrt %add3A_14 : vector<1x256xf32>
    %mul3A_15 = arith.mulf %get3A_12, %rsqrt3A : vector<1x256xf32>
    %get3A_16 = arith.constant 0 : index
    %get3A_17 = arith.constant 0 : index
    %get3A_18 = vector.load %arg5[%get3A_16, %get3A_17] : memref<1x256xf32, #tpu.memory_space<vmem>>, vector<1x256xf32>
    %mul3A_19 = arith.mulf %div3A_3, %mul3A_15 : vector<1x256xf32>
    %sub3A_20 = arith.subf %get3A_18, %mul3A_19 : vector<1x256xf32>
    %get3A_21 = arith.constant 0 : index
    %get3A_22 = arith.constant 0 : index
    %get3A_23 = arith.constant 0 : index
    %get3A_24 = vector.load %arg2[%get3A_21, %get3A_22, %get3A_23] : memref<1x1024x256xf32, #tpu.memory_space<vmem>>, vector<1x1024x256xf32>
    %get3A_25 = vector.shape_cast %get3A_24 : vector<1x1024x256xf32> to vector<1024x256xf32>
    %mul3A_26 = vector.broadcast %mul3A_15 : vector<1x256xf32> to vector<1024x256xf32>
    %mul3A_27 = arith.mulf %get3A_25, %mul3A_26 : vector<1024x256xf32>
    %add3A_28 = vector.broadcast %sub3A_20 : vector<1x256xf32> to vector<1024x256xf32>
    %add3A_29 = arith.addf %mul3A_27, %add3A_28 : vector<1024x256xf32>
    %max3A = arith.constant 0.000000e+00 : f32
    %max3A_30 = vector.broadcast %max3A : f32 to vector<1024x256xf32>
    %max3A_31 = arith.maximumf %add3A_29, %max3A_30 : vector<1024x256xf32>
    %get3A_32 = arith.constant 0 : index
    %get3A_33 = arith.constant 0 : index
    %get3A_34 = vector.load %arg6[%get3A_32, %get3A_33] : memref<256x256xf32, #tpu.memory_space<vmem>>, vector<256x256xf32>
    %dot_general3A = arith.constant dense<0.000000e+00> : vector<1024x256xf32>
    %dot_general3A_35 = tpu.matmul %max3A_31, %get3A_34, %dot_general3A {dimension_numbers = #tpu.dot_dimension_numbers<[1], [0], [0], [1], [0, 0, 1, 1], [], []>, transpose_lhs_hint = false} : vector<1024x256xf32>, vector<256x256xf32>, vector<1024x256xf32> -> vector<1024x256xf32>
    %get3A_36 = arith.constant 0 : index
    %get3A_37 = arith.constant 0 : index
    %get3A_38 = vector.load %arg7[%get3A_36, %get3A_37] : memref<1x256xf32, #tpu.memory_space<vmem>>, vector<1x256xf32>
    %add3A_39 = vector.broadcast %get3A_38 : vector<1x256xf32> to vector<1024x256xf32>
    %add3A_40 = arith.addf %dot_general3A_35, %add3A_39 : vector<1024x256xf32>
    %swap3A = arith.constant 0 : index
    %swap3A_41 = arith.constant 0 : index
    %swap3A_42 = arith.constant 0 : index
    %swap3A_43 = vector.load %arg8[%swap3A, %swap3A_41, %swap3A_42] : memref<1x1024x256xf32, #tpu.memory_space<vmem>>, vector<1x1024x256xf32>
    %swap3A_44 = vector.shape_cast %swap3A_43 : vector<1x1024x256xf32> to vector<1024x256xf32>
    %swap3A_45 = vector.shape_cast %add3A_40 : vector<1024x256xf32> to vector<1x1024x256xf32>
    tpu.vector_store %arg8[%swap3A, %swap3A_41, %swap3A_42], %swap3A_45 {strides = array<i32>} : memref<1x1024x256xf32, #tpu.memory_space<vmem>>, vector<1x1024x256xf32>,
    %eq3A = arith.constant 0 : i32
    %eq3A_46 = arith.cmpi eq, %arg0, %eq3A : i32
    %eq3A_47 = arith.constant 0 : i32
    %eq3A_48 = arith.cmpi eq, %arg1, %eq3A_47 : i32
    %and3A = arith.andi %eq3A_46, %eq3A_48 : i1
    %convert_element_type3A = arith.extui %and3A : i1 to i32
    %cond3A = arith.constant 0 : i32
    %cond3A_49 = arith.cmpi ne, %convert_element_type3A, %cond3A : i32
    scf.if %cond3A_49 {
      %broadcast_in_dim3A_69 = arith.constant 0.000000e+00 : f32
      %broadcast_in_dim3A_70 = vector.broadcast %broadcast_in_dim3A_69 : f32 to vector<8x256xf32>
      %swap3A_71 = arith.constant 0 : index
      %swap3A_72 = arith.constant 0 : index
      %swap3A_73 = vector.load %arg9[%swap3A_71, %swap3A_72] : memref<8x256xf32, #tpu.memory_space<vmem>>, vector<8x256xf32>
      tpu.vector_store %arg9[%swap3A_71, %swap3A_72], %broadcast_in_dim3A_70 {strides = array<i32>} : memref<8x256xf32, #tpu.memory_space<vmem>>, vector<8x256xf32>,
    } else {
    }
    %get3A_50 = arith.constant 0 : index
    %get3A_51 = arith.constant 0 : index
    %get3A_52 = vector.load %arg9[%get3A_50, %get3A_51] : memref<8x256xf32, #tpu.memory_space<vmem>>, vector<1x256xf32>
    %reduce_sum3A = arith.constant dense<0.000000e+00> : vector<256xf32>
    %reduce_sum3A_53 = vector.multi_reduction <add>, %add3A_40, %reduce_sum3A [0] : vector<1024x256xf32> to vector<256xf32>
    %broadcast_in_dim3A = vector.shape_cast %reduce_sum3A_53 : vector<256xf32> to vector<1x256xf32>
    %add3A_54 = arith.addf %get3A_52, %broadcast_in_dim3A : vector<1x256xf32>
    %swap3A_55 = arith.constant 0 : index
    %swap3A_56 = arith.constant 0 : index
    %swap3A_57 = vector.load %arg9[%swap3A_55, %swap3A_56] : memref<8x256xf32, #tpu.memory_space<vmem>>, vector<1x256xf32>
    tpu.vector_store %arg9[%swap3A_55, %swap3A_56], %add3A_54 {strides = array<i32>} : memref<8x256xf32, #tpu.memory_space<vmem>>, vector<1x256xf32>,
    %get3A_58 = arith.constant 1 : index
    %get3A_59 = arith.constant 0 : index
    %get3A_60 = vector.load %arg9[%get3A_58, %get3A_59] : memref<8x256xf32, #tpu.memory_space<vmem>>, vector<1x256xf32>
    %mul3A_61 = arith.mulf %add3A_40, %add3A_40 : vector<1024x256xf32>
    %reduce_sum3A_62 = arith.constant dense<0.000000e+00> : vector<256xf32>
    %reduce_sum3A_63 = vector.multi_reduction <add>, %mul3A_61, %reduce_sum3A_62 [0] : vector<1024x256xf32> to vector<256xf32>
    %broadcast_in_dim3A_64 = vector.shape_cast %reduce_sum3A_63 : vector<256xf32> to vector<1x256xf32>
    %add3A_65 = arith.addf %get3A_60, %broadcast_in_dim3A_64 : vector<1x256xf32>
    %swap3A_66 = arith.constant 1 : index
    %swap3A_67 = arith.constant 0 : index
    %swap3A_68 = vector.load %arg9[%swap3A_66, %swap3A_67] : memref<8x256xf32, #tpu.memory_space<vmem>>, vector<1x256xf32>
    tpu.vector_store %arg9[%swap3A_66, %swap3A_67], %add3A_65 {strides = array<i32>} : memref<8x256xf32, #tpu.memory_space<vmem>>, vector<1x256xf32>,
    return
  }
  func.func @transform_0(%arg0: i32, %arg1: i32) -> (i32, i32, i32) {
    %c0_i32 = arith.constant 0 : i32
    %c0_i32_0 = arith.constant 0 : i32
    return %arg0, %arg1, %c0_i32 : i32, i32, i32
  }
  func.func @transform_1(%arg0: i32, %arg1: i32) -> (i32, i32) {
    %c0_i32 = arith.constant 0 : i32
    %c0_i32_0 = arith.constant 0 : i32
    %c0_i32_1 = arith.constant 0 : i32
    return %c0_i32, %c0_i32_0 : i32, i32
  }
  func.func @transform_2(%arg0: i32, %arg1: i32) -> (i32, i32) {
    %c0_i32 = arith.constant 0 : i32
    %c0_i32_0 = arith.constant 0 : i32
    %c0_i32_1 = arith.constant 0 : i32
    return %c0_i32, %c0_i32_0 : i32, i32
  }
  func.func @transform_3(%arg0: i32, %arg1: i32) -> (i32, i32) {
    %c0_i32 = arith.constant 0 : i32
    %c0_i32_0 = arith.constant 0 : i32
    %c0_i32_1 = arith.constant 0 : i32
    return %c0_i32, %c0_i32_0 : i32, i32
  }
  func.func @transform_4(%arg0: i32, %arg1: i32) -> (i32, i32) {
    %c0_i32 = arith.constant 0 : i32
    %c0_i32_0 = arith.constant 0 : i32
    %c0_i32_1 = arith.constant 0 : i32
    return %c0_i32, %c0_i32_0 : i32, i32
  }
  func.func @transform_5(%arg0: i32, %arg1: i32) -> (i32, i32) {
    %c0_i32 = arith.constant 0 : i32
    %c0_i32_0 = arith.constant 0 : i32
    %c0_i32_1 = arith.constant 0 : i32
    return %c0_i32, %c0_i32_0 : i32, i32
  }
  func.func @transform_6(%arg0: i32, %arg1: i32) -> (i32, i32, i32) {
    %c0_i32 = arith.constant 0 : i32
    %c0_i32_0 = arith.constant 0 : i32
    return %arg0, %arg1, %c0_i32 : i32, i32, i32
  }
  func.func @transform_7(%arg0: i32, %arg1: i32) -> (i32, i32) {
    %c0_i32 = arith.constant 0 : i32
    %c0_i32_0 = arith.constant 0 : i32
    %c0_i32_1 = arith.constant 0 : i32
    return %c0_i32, %c0_i32_0 : i32, i32
  }
}

module attributes {stable_mosaic.version = 14 : i64} {
  func.func @_s3q_body(%arg0: i32, %arg1: i32, %arg2: memref<1x1024x256xf32, #tpu.memory_space<vmem>>, %arg3: memref<8x256xf32, #tpu.memory_space<vmem>>, %arg4: memref<1x256xf32, #tpu.memory_space<vmem>>, %arg5: memref<1x256xf32, #tpu.memory_space<vmem>>, %arg6: memref<1x256x1024xf32, #tpu.memory_space<vmem>>) attributes {dimension_semantics = [#tpu.dimension_semantics<arbitrary>, #tpu.dimension_semantics<arbitrary>], iteration_bounds = array<i64: 16, 4>, scalar_prefetch = 0 : i64, scratch_operands = 0 : i64, tpu.core_type = #tpu.core_type<tc>, window_params = [{transform_indices = @transform_0, window_bounds = array<i64: 1, 1024, 256>}, {pipeline_mode = #tpu.pipeline_mode<synchronous>, transform_indices = @transform_1, window_bounds = array<i64: 8, 256>}, {pipeline_mode = #tpu.pipeline_mode<synchronous>, transform_indices = @transform_2, window_bounds = array<i64: 1, 256>}, {pipeline_mode = #tpu.pipeline_mode<synchronous>, transform_indices = @transform_3, window_bounds = array<i64: 1, 256>}, {transform_indices = @transform_4, window_bounds = array<i64: 1, 256, 1024>}]} {
    %get3A = arith.constant 0 : index
    %get3A_0 = arith.constant 0 : index
    %get3A_1 = vector.load %arg3[%get3A, %get3A_0] : memref<8x256xf32, #tpu.memory_space<vmem>>, vector<1x256xf32>
    %div3A = arith.constant 6.553600e+04 : f32
    %div3A_2 = vector.broadcast %div3A : f32 to vector<1x256xf32>
    %div3A_3 = arith.divf %get3A_1, %div3A_2 : vector<1x256xf32>
    %get3A_4 = arith.constant 1 : index
    %get3A_5 = arith.constant 0 : index
    %get3A_6 = vector.load %arg3[%get3A_4, %get3A_5] : memref<8x256xf32, #tpu.memory_space<vmem>>, vector<1x256xf32>
    %div3A_7 = arith.constant 6.553600e+04 : f32
    %div3A_8 = vector.broadcast %div3A_7 : f32 to vector<1x256xf32>
    %div3A_9 = arith.divf %get3A_6, %div3A_8 : vector<1x256xf32>
    %mul3A = arith.mulf %div3A_3, %div3A_3 : vector<1x256xf32>
    %sub3A = arith.subf %div3A_9, %mul3A : vector<1x256xf32>
    %get3A_10 = arith.constant 0 : index
    %get3A_11 = arith.constant 0 : index
    %get3A_12 = vector.load %arg4[%get3A_10, %get3A_11] : memref<1x256xf32, #tpu.memory_space<vmem>>, vector<1x256xf32>
    %add3A = arith.constant 1.000000e-03 : f32
    %add3A_13 = vector.broadcast %add3A : f32 to vector<1x256xf32>
    %add3A_14 = arith.addf %sub3A, %add3A_13 : vector<1x256xf32>
    %rsqrt3A = math.rsqrt %add3A_14 : vector<1x256xf32>
    %mul3A_15 = arith.mulf %get3A_12, %rsqrt3A : vector<1x256xf32>
    %get3A_16 = arith.constant 0 : index
    %get3A_17 = arith.constant 0 : index
    %get3A_18 = vector.load %arg5[%get3A_16, %get3A_17] : memref<1x256xf32, #tpu.memory_space<vmem>>, vector<1x256xf32>
    %mul3A_19 = arith.mulf %div3A_3, %mul3A_15 : vector<1x256xf32>
    %sub3A_20 = arith.subf %get3A_18, %mul3A_19 : vector<1x256xf32>
    %get3A_21 = arith.constant 0 : index
    %get3A_22 = arith.constant 0 : index
    %get3A_23 = arith.constant 0 : index
    %get3A_24 = vector.load %arg2[%get3A_21, %get3A_22, %get3A_23] : memref<1x1024x256xf32, #tpu.memory_space<vmem>>, vector<1x1024x256xf32>
    %get3A_25 = vector.shape_cast %get3A_24 : vector<1x1024x256xf32> to vector<1024x256xf32>
    %mul3A_26 = vector.broadcast %mul3A_15 : vector<1x256xf32> to vector<1024x256xf32>
    %mul3A_27 = arith.mulf %get3A_25, %mul3A_26 : vector<1024x256xf32>
    %add3A_28 = vector.broadcast %sub3A_20 : vector<1x256xf32> to vector<1024x256xf32>
    %add3A_29 = arith.addf %mul3A_27, %add3A_28 : vector<1024x256xf32>
    %max3A = arith.constant 0.000000e+00 : f32
    %max3A_30 = vector.broadcast %max3A : f32 to vector<1024x256xf32>
    %max3A_31 = arith.maximumf %add3A_29, %max3A_30 : vector<1024x256xf32>
    %transpose3A = tpu.transpose %max3A_31, [1, 0] : vector<1024x256xf32> -> vector<256x1024xf32>
    %swap3A = arith.constant 0 : index
    %swap3A_32 = arith.constant 0 : index
    %swap3A_33 = arith.constant 0 : index
    %swap3A_34 = vector.load %arg6[%swap3A, %swap3A_32, %swap3A_33] : memref<1x256x1024xf32, #tpu.memory_space<vmem>>, vector<1x256x1024xf32>
    %swap3A_35 = vector.shape_cast %swap3A_34 : vector<1x256x1024xf32> to vector<256x1024xf32>
    %swap3A_36 = vector.shape_cast %transpose3A : vector<256x1024xf32> to vector<1x256x1024xf32>
    tpu.vector_store %arg6[%swap3A, %swap3A_32, %swap3A_33], %swap3A_36 {strides = array<i32>} : memref<1x256x1024xf32, #tpu.memory_space<vmem>>, vector<1x256x1024xf32>,
    return
  }
  func.func @transform_0(%arg0: i32, %arg1: i32) -> (i32, i32, i32) {
    %c0_i32 = arith.constant 0 : i32
    %c0_i32_0 = arith.constant 0 : i32
    return %arg0, %arg1, %c0_i32 : i32, i32, i32
  }
  func.func @transform_1(%arg0: i32, %arg1: i32) -> (i32, i32) {
    %c0_i32 = arith.constant 0 : i32
    %c0_i32_0 = arith.constant 0 : i32
    %c0_i32_1 = arith.constant 0 : i32
    return %c0_i32, %c0_i32_0 : i32, i32
  }
  func.func @transform_2(%arg0: i32, %arg1: i32) -> (i32, i32) {
    %c0_i32 = arith.constant 0 : i32
    %c0_i32_0 = arith.constant 0 : i32
    %c0_i32_1 = arith.constant 0 : i32
    return %c0_i32, %c0_i32_0 : i32, i32
  }
  func.func @transform_3(%arg0: i32, %arg1: i32) -> (i32, i32) {
    %c0_i32 = arith.constant 0 : i32
    %c0_i32_0 = arith.constant 0 : i32
    %c0_i32_1 = arith.constant 0 : i32
    return %c0_i32, %c0_i32_0 : i32, i32
  }
  func.func @transform_4(%arg0: i32, %arg1: i32) -> (i32, i32, i32) {
    %c0_i32 = arith.constant 0 : i32
    %c0_i32_0 = arith.constant 0 : i32
    return %arg0, %c0_i32, %arg1 : i32, i32, i32
  }
}

module attributes {stable_mosaic.version = 14 : i64} {
  func.func @_s1b_body(%arg0: i32, %arg1: i32, %arg2: memref<1x1024x256xf32, #tpu.memory_space<vmem>>, %arg3: memref<1x1024x256xf32, #tpu.memory_space<vmem>>, %arg4: memref<1x1024x256xf32, #tpu.memory_space<vmem>>, %arg5: memref<1x1024x3xf32, #tpu.memory_space<vmem>>, %arg6: memref<1x1024x128xf32, #tpu.memory_space<vmem>>, %arg7: memref<128x256xf32, #tpu.memory_space<vmem>>, %arg8: memref<1x256xf32, #tpu.memory_space<vmem>>, %arg9: memref<1x1024x256xf32, #tpu.memory_space<vmem>>, %arg10: memref<8x256xf32, #tpu.memory_space<vmem>>) attributes {dimension_semantics = [#tpu.dimension_semantics<arbitrary>, #tpu.dimension_semantics<arbitrary>], iteration_bounds = array<i64: 16, 4>, scalar_prefetch = 0 : i64, scratch_operands = 0 : i64, tpu.core_type = #tpu.core_type<tc>, window_params = [{transform_indices = @transform_0, window_bounds = array<i64: 1, 1024, 256>}, {transform_indices = @transform_1, window_bounds = array<i64: 1, 1024, 256>}, {transform_indices = @transform_2, window_bounds = array<i64: 1, 1024, 256>}, {transform_indices = @transform_3, window_bounds = array<i64: 1, 1024, 3>}, {transform_indices = @transform_4, window_bounds = array<i64: 1, 1024, 128>}, {pipeline_mode = #tpu.pipeline_mode<synchronous>, transform_indices = @transform_5, window_bounds = array<i64: 128, 256>}, {pipeline_mode = #tpu.pipeline_mode<synchronous>, transform_indices = @transform_6, window_bounds = array<i64: 1, 256>}, {transform_indices = @transform_7, window_bounds = array<i64: 1, 1024, 256>}, {pipeline_mode = #tpu.pipeline_mode<synchronous>, transform_indices = @transform_8, window_bounds = array<i64: 8, 256>}]} {
    %get3A = arith.constant 0 : index
    %get3A_0 = arith.constant 0 : index
    %get3A_1 = arith.constant 0 : index
    %get3A_2 = vector.load %arg5[%get3A, %get3A_0, %get3A_1] : memref<1x1024x3xf32, #tpu.memory_space<vmem>>, vector<1x1024x3xf32>
    %get3A_3 = vector.shape_cast %get3A_2 : vector<1x1024x3xf32> to vector<1024x3xf32>
    %get3A_4 = arith.constant 0 : index
    %get3A_5 = arith.constant 0 : index
    %get3A_6 = arith.constant 0 : index
    %get3A_7 = vector.load %arg2[%get3A_4, %get3A_5, %get3A_6] : memref<1x1024x256xf32, #tpu.memory_space<vmem>>, vector<1x1024x256xf32>
    %get3A_8 = vector.shape_cast %get3A_7 : vector<1x1024x256xf32> to vector<1024x256xf32>
    %slice3A = vector.extract_strided_slice %get3A_3 {offsets = [0, 0], sizes = [1024, 1], strides = [1, 1]} : vector<1024x3xf32> to vector<1024x1xf32>
    %mul3A = vector.broadcast %slice3A : vector<1024x1xf32> to vector<1024x256xf32>
    %mul3A_9 = arith.mulf %get3A_8, %mul3A : vector<1024x256xf32>
    %get3A_10 = arith.constant 0 : index
    %get3A_11 = arith.constant 0 : index
    %get3A_12 = arith.constant 0 : index
    %get3A_13 = vector.load %arg3[%get3A_10, %get3A_11, %get3A_12] : memref<1x1024x256xf32, #tpu.memory_space<vmem>>, vector<1x1024x256xf32>
    %get3A_14 = vector.shape_cast %get3A_13 : vector<1x1024x256xf32> to vector<1024x256xf32>
    %slice3A_15 = vector.extract_strided_slice %get3A_3 {offsets = [0, 1], sizes = [1024, 1], strides = [1, 1]} : vector<1024x3xf32> to vector<1024x1xf32>
    %mul3A_16 = vector.broadcast %slice3A_15 : vector<1024x1xf32> to vector<1024x256xf32>
    %mul3A_17 = arith.mulf %get3A_14, %mul3A_16 : vector<1024x256xf32>
    %add3A = arith.addf %mul3A_9, %mul3A_17 : vector<1024x256xf32>
    %get3A_18 = arith.constant 0 : index
    %get3A_19 = arith.constant 0 : index
    %get3A_20 = arith.constant 0 : index
    %get3A_21 = vector.load %arg4[%get3A_18, %get3A_19, %get3A_20] : memref<1x1024x256xf32, #tpu.memory_space<vmem>>, vector<1x1024x256xf32>
    %get3A_22 = vector.shape_cast %get3A_21 : vector<1x1024x256xf32> to vector<1024x256xf32>
    %slice3A_23 = vector.extract_strided_slice %get3A_3 {offsets = [0, 2], sizes = [1024, 1], strides = [1, 1]} : vector<1024x3xf32> to vector<1024x1xf32>
    %mul3A_24 = vector.broadcast %slice3A_23 : vector<1024x1xf32> to vector<1024x256xf32>
    %mul3A_25 = arith.mulf %get3A_22, %mul3A_24 : vector<1024x256xf32>
    %add3A_26 = arith.addf %add3A, %mul3A_25 : vector<1024x256xf32>
    %get3A_27 = arith.constant 0 : index
    %get3A_28 = arith.constant 0 : index
    %get3A_29 = arith.constant 0 : index
    %get3A_30 = vector.load %arg6[%get3A_27, %get3A_28, %get3A_29] : memref<1x1024x128xf32, #tpu.memory_space<vmem>>, vector<1x1024x128xf32>
    %get3A_31 = vector.shape_cast %get3A_30 : vector<1x1024x128xf32> to vector<1024x128xf32>
    %get3A_32 = arith.constant 0 : index
    %get3A_33 = arith.constant 0 : index
    %get3A_34 = vector.load %arg7[%get3A_32, %get3A_33] : memref<128x256xf32, #tpu.memory_space<vmem>>, vector<128x256xf32>
    %dot_general3A = arith.constant dense<0.000000e+00> : vector<1024x256xf32>
    %dot_general3A_35 = tpu.matmul %get3A_31, %get3A_34, %dot_general3A {dimension_numbers = #tpu.dot_dimension_numbers<[1], [0], [0], [1], [0, 0, 1, 1], [], []>, transpose_lhs_hint = false} : vector<1024x128xf32>, vector<128x256xf32>, vector<1024x256xf32> -> vector<1024x256xf32>
    %add3A_36 = arith.addf %add3A_26, %dot_general3A_35 : vector<1024x256xf32>
    %get3A_37 = arith.constant 0 : index
    %get3A_38 = arith.constant 0 : index
    %get3A_39 = vector.load %arg8[%get3A_37, %get3A_38] : memref<1x256xf32, #tpu.memory_space<vmem>>, vector<1x256xf32>
    %add3A_40 = vector.broadcast %get3A_39 : vector<1x256xf32> to vector<1024x256xf32>
    %add3A_41 = arith.addf %add3A_36, %add3A_40 : vector<1024x256xf32>
    %swap3A = arith.constant 0 : index
    %swap3A_42 = arith.constant 0 : index
    %swap3A_43 = arith.constant 0 : index
    %swap3A_44 = vector.load %arg9[%swap3A, %swap3A_42, %swap3A_43] : memref<1x1024x256xf32, #tpu.memory_space<vmem>>, vector<1x1024x256xf32>
    %swap3A_45 = vector.shape_cast %swap3A_44 : vector<1x1024x256xf32> to vector<1024x256xf32>
    %swap3A_46 = vector.shape_cast %add3A_41 : vector<1024x256xf32> to vector<1x1024x256xf32>
    tpu.vector_store %arg9[%swap3A, %swap3A_42, %swap3A_43], %swap3A_46 {strides = array<i32>} : memref<1x1024x256xf32, #tpu.memory_space<vmem>>, vector<1x1024x256xf32>,
    %eq3A = arith.constant 0 : i32
    %eq3A_47 = arith.cmpi eq, %arg0, %eq3A : i32
    %eq3A_48 = arith.constant 0 : i32
    %eq3A_49 = arith.cmpi eq, %arg1, %eq3A_48 : i32
    %and3A = arith.andi %eq3A_47, %eq3A_49 : i1
    %convert_element_type3A = arith.extui %and3A : i1 to i32
    %cond3A = arith.constant 0 : i32
    %cond3A_50 = arith.cmpi ne, %convert_element_type3A, %cond3A : i32
    scf.if %cond3A_50 {
      %broadcast_in_dim3A_70 = arith.constant 0.000000e+00 : f32
      %broadcast_in_dim3A_71 = vector.broadcast %broadcast_in_dim3A_70 : f32 to vector<8x256xf32>
      %swap3A_72 = arith.constant 0 : index
      %swap3A_73 = arith.constant 0 : index
      %swap3A_74 = vector.load %arg10[%swap3A_72, %swap3A_73] : memref<8x256xf32, #tpu.memory_space<vmem>>, vector<8x256xf32>
      tpu.vector_store %arg10[%swap3A_72, %swap3A_73], %broadcast_in_dim3A_71 {strides = array<i32>} : memref<8x256xf32, #tpu.memory_space<vmem>>, vector<8x256xf32>,
    } else {
    }
    %get3A_51 = arith.constant 0 : index
    %get3A_52 = arith.constant 0 : index
    %get3A_53 = vector.load %arg10[%get3A_51, %get3A_52] : memref<8x256xf32, #tpu.memory_space<vmem>>, vector<1x256xf32>
    %reduce_sum3A = arith.constant dense<0.000000e+00> : vector<256xf32>
    %reduce_sum3A_54 = vector.multi_reduction <add>, %add3A_41, %reduce_sum3A [0] : vector<1024x256xf32> to vector<256xf32>
    %broadcast_in_dim3A = vector.shape_cast %reduce_sum3A_54 : vector<256xf32> to vector<1x256xf32>
    %add3A_55 = arith.addf %get3A_53, %broadcast_in_dim3A : vector<1x256xf32>
    %swap3A_56 = arith.constant 0 : index
    %swap3A_57 = arith.constant 0 : index
    %swap3A_58 = vector.load %arg10[%swap3A_56, %swap3A_57] : memref<8x256xf32, #tpu.memory_space<vmem>>, vector<1x256xf32>
    tpu.vector_store %arg10[%swap3A_56, %swap3A_57], %add3A_55 {strides = array<i32>} : memref<8x256xf32, #tpu.memory_space<vmem>>, vector<1x256xf32>,
    %get3A_59 = arith.constant 1 : index
    %get3A_60 = arith.constant 0 : index
    %get3A_61 = vector.load %arg10[%get3A_59, %get3A_60] : memref<8x256xf32, #tpu.memory_space<vmem>>, vector<1x256xf32>
    %mul3A_62 = arith.mulf %add3A_41, %add3A_41 : vector<1024x256xf32>
    %reduce_sum3A_63 = arith.constant dense<0.000000e+00> : vector<256xf32>
    %reduce_sum3A_64 = vector.multi_reduction <add>, %mul3A_62, %reduce_sum3A_63 [0] : vector<1024x256xf32> to vector<256xf32>
    %broadcast_in_dim3A_65 = vector.shape_cast %reduce_sum3A_64 : vector<256xf32> to vector<1x256xf32>
    %add3A_66 = arith.addf %get3A_61, %broadcast_in_dim3A_65 : vector<1x256xf32>
    %swap3A_67 = arith.constant 1 : index
    %swap3A_68 = arith.constant 0 : index
    %swap3A_69 = vector.load %arg10[%swap3A_67, %swap3A_68] : memref<8x256xf32, #tpu.memory_space<vmem>>, vector<1x256xf32>
    tpu.vector_store %arg10[%swap3A_67, %swap3A_68], %add3A_66 {strides = array<i32>} : memref<8x256xf32, #tpu.memory_space<vmem>>, vector<1x256xf32>,
    return
  }
  func.func @transform_0(%arg0: i32, %arg1: i32) -> (i32, i32, i32) {
    %c0_i32 = arith.constant 0 : i32
    %c0_i32_0 = arith.constant 0 : i32
    return %arg0, %arg1, %c0_i32 : i32, i32, i32
  }
  func.func @transform_1(%arg0: i32, %arg1: i32) -> (i32, i32, i32) {
    %c0_i32 = arith.constant 0 : i32
    %c0_i32_0 = arith.constant 0 : i32
    return %arg0, %arg1, %c0_i32 : i32, i32, i32
  }
  func.func @transform_2(%arg0: i32, %arg1: i32) -> (i32, i32, i32) {
    %c0_i32 = arith.constant 0 : i32
    %c0_i32_0 = arith.constant 0 : i32
    return %arg0, %arg1, %c0_i32 : i32, i32, i32
  }
  func.func @transform_3(%arg0: i32, %arg1: i32) -> (i32, i32, i32) {
    %c0_i32 = arith.constant 0 : i32
    %c0_i32_0 = arith.constant 0 : i32
    return %arg0, %arg1, %c0_i32 : i32, i32, i32
  }
  func.func @transform_4(%arg0: i32, %arg1: i32) -> (i32, i32, i32) {
    %c0_i32 = arith.constant 0 : i32
    %c0_i32_0 = arith.constant 0 : i32
    return %arg0, %arg1, %c0_i32 : i32, i32, i32
  }
  func.func @transform_5(%arg0: i32, %arg1: i32) -> (i32, i32) {
    %c0_i32 = arith.constant 0 : i32
    %c0_i32_0 = arith.constant 0 : i32
    %c0_i32_1 = arith.constant 0 : i32
    return %c0_i32, %c0_i32_0 : i32, i32
  }
  func.func @transform_6(%arg0: i32, %arg1: i32) -> (i32, i32) {
    %c0_i32 = arith.constant 0 : i32
    %c0_i32_0 = arith.constant 0 : i32
    %c0_i32_1 = arith.constant 0 : i32
    return %c0_i32, %c0_i32_0 : i32, i32
  }
  func.func @transform_7(%arg0: i32, %arg1: i32) -> (i32, i32, i32) {
    %c0_i32 = arith.constant 0 : i32
    %c0_i32_0 = arith.constant 0 : i32
    return %arg0, %arg1, %c0_i32 : i32, i32, i32
  }
  func.func @transform_8(%arg0: i32, %arg1: i32) -> (i32, i32) {
    %c0_i32 = arith.constant 0 : i32
    %c0_i32_0 = arith.constant 0 : i32
    %c0_i32_1 = arith.constant 0 : i32
    return %c0_i32, %c0_i32_0 : i32, i32
  }
}

</mosaic_0001>

<sc_bundles>
// kernel: kernel.8.cloned.1.call-start
scs
__scs_entry_jumppad:
0x0: {  	(pc) =	sbr.rel $0x88, $3  }
0x1: {  	(tag) =	ssettag $0x0;
	lr =	simm.s32 $0x1  }
0x2: {  	[smem:$0x3F95] =	sst lr;
	_ =	strace $0xD0000000  }
0x3: {  	_ = 	snop  }
0x4: {  	_ = 	snop  }
0x5: {  	_ = 	snop  }
0x6: {  	_ = 	snop  }
0x7: {  	_ = 	snop  }
__scs_overlays_trampoline_lowered:
0x8: {  	[smem:$0x3FA4] =	sst s0  }
0x9: {  	[smem:$0x3FA5] =	sst s1  }
0xa: {  	[smem:$0x3FA6] =	sst s2  }
0xb: {  	[smem:$0x3FA7] =	sst s3  }
0xc: {  	[smem:$0x3FA8] =	sst s4  }
0xd: {  	[smem:$0x3FA9] =	sst s5  }
0xe: {  	[smem:$0x3FAA] =	sst s6  }
0xf: {  	[smem:$0x3FAB] =	sst s7  }
0x10: {  	[smem:$0x3FAC] =	sst s8  }
0x11: {  	[smem:$0x3FAD] =	sst s9;
	s0 =	simm.s32 @!p0 $0x0  }
0x12: {  	s1 =	sld [smem:$0x3F93];
	s0 =	simm.s32 @p0 $0x1  }
0x13: {  	[smem:$0x3FAE] =	sst s0;
	s0 =	simm.s32 @!p1 $0x0  }
0x14: {  	s2 =	sld [smem:$0x3F92];
	s0 =	simm.s32 @p1 $0x1  }
0x15: {  	[smem:$0x3FAF] =	sst s0;
	s0 =	simm.s32 @!p2 $0x0  }
0x16: {  	s3 =	sld [smem:$0x3FDB];
	s0 =	simm.s32 @p2 $0x1  }
0x17: {  	s4 =	simm.s32 $0x1BF5;
	[smem:$0x3FB1] =	sst s0  }
0x18: {  	s0 =	sld [smem:$0x3F94];
	_ =	swait.ge [sflag:s4], $0x0  }
0x19: {  	s7 =	sld [smem:$0x3F95]  }
0x1a: {  	s8 =	sadd.s32 $0xFFFFE003, lr  }
0x1b: {  	s9 =	sadd.s32 $0xFFFFFEF7, lr;
	s5 =	simm.s32 $0xFFFFFFFF;
	p2 =	slt.u32 s8, $0xFFFFF086  }
0x1c: {  	p1 =	slt.u32 s9, $0xF7A;
	s5 =	simm.s32 @!p2 $0x0  }
0x1d: {  	s5 =	simm.s32 @p1 $0x1;
	p0 =	seq.s32 s7, s2  }
0x1e: {  	s7 =	smul.u32 @!p0 $0xF7A, s2;
	p2 =	seq.s32 @!p0 s5, $0x0  }
0x1f: {  	s9 =	smul.u32 $0xF7A, s1;
	s8 =	simm.s32 @!p0 $0x1BF5;
	p2 =	por !p2, p0  }
0x20: {  	[sflag:s8] =	ssyncset.s32 @!p0 $0xFFFFF086;
	s6 =	sadd.s32 @!p0 s3, s7;
	s7 =	simm.s32 @!p0 $0x108  }
0x21: {  	s3 =	sadd.s32 s3, s9;
	s6 =	sadd.s32 @!p0 $0x88, s6;
	s7 =	simm.s32 @p2 $0x1082  }
0x22: {  	[simem:s7], [sflag:s8] =	dma.local @!p0 [hbm:s6], $0xF7A  }
0x23: {  	s9 =	sor.u32 $0xD0000000, s2;
	s6 =	simm.s32 $0x108;
	_ =	swait.ge @!p0 [sflag:s8], $0x0  }
0x24: {  	s3 =	sadd.s32 $0x88, s3;
	s6 =	simm.s32 @!p1 $0x1082;
	[sflag:s4] =	ssyncset.s32 $0xFFFFF086  }
0x25: {  	[simem:s6], [sflag:s4] =	dma.local [hbm:s3], $0xF7A  }
0x26: {  	[smem:$0x3F95] =	sst s1;
	(tag) =	ssettag s2;
	_ =	strace s9  }
0x27: {  	s1 =	sld [smem:$0x3FA5]  }
0x28: {  	s2 =	sld [smem:$0x3FA6]  }
0x29: {  	s4 =	sld [smem:$0x3FA8]  }
0x2a: {  	p0 =	seq.s32 s5, $0x0;
	s5 =	sld [smem:$0x3FA9]  }
0x2b: {  	s6 =	sld [smem:$0x3FAA]  }
0x2c: {  	s7 =	sld [smem:$0x3FAB]  }
0x2d: {  	s3 =	simm.s32 $0x108;
	s8 =	sld [smem:$0x3FAC]  }
0x2e: {  	s3 =	simm.s32 @!p0 $0x1082;
	s9 =	sld [smem:$0x3FAD]  }
0x2f: {  	lr =	sadd.s32 s0, s3;
	s0 =	sld [smem:$0x3FA4]  }
0x30: {  	s3 =	sld [smem:$0x3FA7]  }
0x31: {  	[smem:$0x3FB0] =	sst s10  }
0x32: {  	s10 =	sld [smem:$0x3FAE];
	_ =	sdelay $0x3  }
0x33: {  	p0 =	seq.s32 s10, $0x1;
	s10 =	sld [smem:$0x3FB0];
	_ =	sdelay $0x3  }
0x34: {  	[smem:$0x3FB0] =	sst s10  }
0x35: {  	s10 =	sld [smem:$0x3FAF];
	_ =	sdelay $0x3  }
0x36: {  	p1 =	seq.s32 s10, $0x1;
	s10 =	sld [smem:$0x3FB0];
	_ =	sdelay $0x3  }
0x37: {  	[smem:$0x3FB0] =	sst s10  }
0x38: {  	s10 =	sld [smem:$0x3FB1]  }
0x39: {  	_ = 	snop;
	(pc) =	sbr.ind lr, $3  }
0x3a: {  	_ = 	snop  }
0x3b: {  	_ = 	snop  }
0x3c: {  	p2 =	seq.s32 s10, $0x1;
	s10 =	sld [smem:$0x3FB0]  }
0x3d: {  	_ =	shalt  }
0x3e: {  	_ =	shalt  }
0x3f: {  	_ =	shalt  }
0x40: {  	_ =	shalt  }
0x41: {  	_ =	shalt  }
0x42: {  	_ =	shalt  }
0x43: {  	_ =	shalt  }
0x44: {  	_ =	shalt  }
0x45: {  	_ =	shalt  }
0x46: {  	_ =	shalt  }
0x47: {  	_ =	shalt  }
0x48: {  	_ =	shalt  }
0x49: {  	_ =	shalt  }
0x4a: {  	_ =	shalt  }
0x4b: {  	_ =	shalt  }
0x4c: {  	_ =	shalt  }
0x4d: {  	_ =	shalt  }
0x4e: {  	_ =	shalt  }
0x4f: {  	_ =	shalt  }
0x50: {  	_ =	shalt  }
0x51: {  	_ =	shalt  }
0x52: {  	_ =	shalt  }
0x53: {  	_ =	shalt  }
0x54: {  	_ =	shalt  }
0x55: {  	_ =	shalt  }
0x56: {  	_ =	shalt  }
0x57: {  	_ =	shalt  }
0x58: {  	_ =	shalt  }
0x59: {  	_ =	shalt  }
0x5a: {  	_ =	shalt  }
0x5b: {  	_ =	shalt  }
0x5c: {  	_ =	shalt  }
0x5d: {  	_ =	shalt  }
0x5e: {  	_ =	shalt  }
0x5f: {  	_ =	shalt  }
0x60: {  	_ =	shalt  }
0x61: {  	_ =	shalt  }
0x62: {  	_ =	shalt  }
0x63: {  	_ =	shalt  }
0x64: {  	_ =	shalt  }
0x65: {  	_ =	shalt  }
0x66: {  	_ =	shalt  }
0x67: {  	_ =	shalt  }
0x68: {  	_ =	shalt  }
0x69: {  	_ =	shalt  }
0x6a: {  	_ =	shalt  }
0x6b: {  	_ =	shalt  }
0x6c: {  	_ =	shalt  }
0x6d: {  	_ =	shalt  }
0x6e: {  	_ =	shalt  }
0x6f: {  	_ =	shalt  }
0x70: {  	_ =	shalt  }
0x71: {  	_ =	shalt  }
0x72: {  	_ =	shalt  }
0x73: {  	_ =	shalt  }
0x74: {  	_ =	shalt  }
0x75: {  	_ =	shalt  }
0x76: {  	_ =	shalt  }
0x77: {  	_ =	shalt  }
0x78: {  	_ =	shalt  }
0x79: {  	_ =	shalt  }
0x7a: {  	_ =	shalt  }
0x7b: {  	_ =	shalt  }
0x7c: {  	_ =	shalt  }
0x7d: {  	_ =	shalt  }
0x7e: {  	_ =	shalt  }
0x7f: {  	_ =	shalt  }
0x80: {  	_ =	shalt  }
0x81: {  	_ =	shalt  }
0x82: {  	_ =	shalt  }
0x83: {  	_ =	shalt  }
0x84: {  	_ =	shalt  }
0x85: {  	_ =	shalt  }
0x86: {  	_ =	shalt  }
0x87: {  	_ =	shalt  }
.Lfunc_end0:
.L_simem_size_0:
called_computation_lowered:
.L_overlay_start_0:
0x88: {  	s2 =	sld [smem:$0x3FD9]  }
0x89: {  	s3 =	sld [smem:$0x3FFE];
	_ =	sdelay $0x1  }
0x8a: {  	s1 =	srdreg.scid  }
0x8b: {  	s0 =	sand.u32 $0x1, s1  }
0x8c: {  	s17 =	sshll.u32 s0, $0xA;
	s2 =	sadd.s32 s3, s2  }
0x8d: {  	s2 =	sadd.s32 s2, s17  }
0x8e: {  	[smem:$0x3FBC] =	sst s2  }
0x8f: {  	_ = 	snop  }
0x90: {  	s2 =	sld [smem:$0x3FD0];
	(tm) =	ssettm $0x1  }
0x91: {  	s18 =	sld [smem:$0x3FFB];
	_ =	sdelay $0x3  }
0x92: {  	_ =	strace s18  }
0x93: {  	s3 =	sld [smem:$0x3FFC];
	_ =	sdelay $0x3  }
0x94: {  	_ =	strace s3  }
0x95: {  	s3 =	sld [smem:$0x3FFD];
	_ =	sdelay $0x3  }
0x96: {  	_ =	strace s3  }
0x97: {  	_ =	strace $0x8FFFFFFF  }
0x98: {  	s19 =	sld [smem:$0x3FDB];
	_ =	sdelay $0x1  }
0x99: {  	s4 =	simm.s32 $_scs_section_size  }
0x9a: {  	s5 =	simm.s32 $_size__tile_overlayer_lowered;
	s6 =	simm.s32 $_tile_overlayer_lowered  }
0x9b: {  	s22 =	simm.s32 $0x1BFF;
	s21 =	sshll.u32 s6, $0x1;
	s3 =	sadd.s32 s4, s19  }
0x9c: {  	s7 =	simm.s32 $0x0;
	s20 =	sshll.u32 s5, $0x1;
	s5 =	sadd.s32 s21, s3  }
0x9d: {  	[timem:s7], [sflag:s22] =	dma.local [hbm:s5], s20  }
0x9e: {  	_ =	swait.ge [sflag:s22], s20  }
0x9f: {  	s4 =	ssub.s32 $0x0, s20;
	[sflag:s22] =	ssyncset.done $0x0  }
0xa0: {  	[sflag:s22] =	ssyncadd.s32 s4;
	_ =	sdelay $0x1  }
0xa1: {  	s23 =	simm.s32 $0x1B8B  }
0xa2: {  	_ =	swait.ge [sflag:s23], $0x1  }
0xa3: {  	[sflag:s23] =	ssyncset.done $0x0  }
0xa4: {  	s25 =	simm.s32 $0x1B8E;
	s24 =	sld [smem:$0x3FFE];
	[sflag:s23] =	ssyncadd.s32 $0xFFFFFFFF  }
0xa5: {  	s26 =	simm.s32 $execute0_lowered;
	[smem:$0x3FD2] =	sst s25  }
0xa6: {  	s5 =	sshll.u32 s26, $0x1;
	_ =	strace $0x80000046;
	[dreg:$0x1] =	wrdreg $0xFFFFFFFF  }
0xa7: {  	s28 =	simm.s32 $_size_execute0_lowered;
	s3 =	sadd.s32 s3, s5;
	[dreg:$0x0] =	wrdreg $0x0  }
0xa8: {  	s5 =	sshll.u32 s28, $0x1;
	[dreg:$0x2] =	wrdreg s3  }
0xa9: {  	[dreg:$0x3] =	wrdreg s5  }
0xaa: {  	[dreg:$0x4] =	wrdreg $0xC0  }
0xab: {  	_ =	task [dreg:s7], $0x5FFFF  }
0xac: {  	[dreg:$0x1] =	wrdreg $0xFFFFFFFF  }
0xad: {  	[dreg:$0x0] =	wrdreg $0x60  }
0xae: {  	[dreg:$0x2] =	wrdreg s2  }
0xaf: {  	[dreg:$0x3] =	wrdreg s24  }
0xb0: {  	[dreg:$0x4] =	wrdreg $0x9  }
0xb1: {  	_ =	task.clear_ibuf [dreg:s7], $0x5FFFF;
	_ =	strace $0x90000046  }
0xb2: {  	s29 =	simm.s32 $0x9;
	_ =	strace $0x80000048  }
0xb3: {  	_ =	swait.ge [sflag:s29], $0x1  }
0xb4: {  	[sflag:s29] =	ssyncadd.s32 $0xFFFFFFFF  }
0xb5: {  	_ =	strace $0x90000048  }
0xb6: {  	_ =	sfence  }
0xb7: {  	s30 =	sld [smem:$0x0];
	_ =	sdelay $0x2  }
0xb8: {  	s31 =	sshll.u32 s1, $0xD;
	s1 =	sshrl.u32 s1, $0x2  }
0xb9: {  	s3 =	sand.u32 $0x4000, s31;
	s1 =	sadd.s32 s1, s30  }
0xba: {  	s0 =	sor.u32 s3, s0;
	s1 =	sshll.u32 s1, $0x11  }
0xbb: {  	s0 =	sor.u32 s1, s0  }
0xbc: {  	s0 =	sadd.s32 $0x8F2B, s0  }
0xbd: {  	[sflag:s0] =	ssyncadd.remote.s32 $0x1  }
0xbe: {  	_ =	sfence.sel $0xFFFF  }
0xbf: {  	[dreg:$0x0] =	wrdreg $0xFFFFFFFF;
	(pc) =	sbr.abs _section_cstart, $3  }
0xc0: {  	[dreg:$0x1] =	wrdreg $0xFFFFFFFF  }
0xc1: {  	_ =	task.clear_ibuf [dreg:s7], $0x2FFFF;
	_ =	strace $0x9FFFFFFF  }
0xc2: {  	(tm) =	ssettm $0x7FFFFFFF  }
0xc3: {  	_ =	shalt  }
tec
execute0_lowered:
.L_overlay_start_1:
0x0: {  	(tag) =	ssettag $0x1  }
0x1: {  	s2 =	rddreg [dreg:$0x0];
	s3 =	srdreg.scid  }
0x2: {  	s0 =	rddreg [dreg:$0x1];
	s4 =	sand.u32 $0x1, s3;
	s3 =	simm.s32 $0x0  }
0x3: {  	s19 =	simm.s32 $0x80;
	[smem:$0x7FF] =	sst s3  }
0x4: {  	s20 =	simm.s32 $0x100;
	_ =	strace $0x80000047;
	[dreg:$0x6] =	wrdreg s19  }
0x5: {  	s21 =	simm.s32 $0x980;
	[dreg:$0x7] =	wrdreg s20  }
0x6: {  	s22 =	simm.s32 $0x1180;
	[dreg:$0x8] =	wrdreg s21  }
0x7: {  	s23 =	simm.s32 $0x1980;
	[dreg:$0x9] =	wrdreg s22  }
0x8: {  	s24 =	simm.s32 $0x2180;
	[dreg:$0xa] =	wrdreg s23  }
0x9: {  	s25 =	simm.s32 $0x2980;
	[dreg:$0xb] =	wrdreg s24  }
0xa: {  	s26 =	simm.s32 $0x3180;
	[dreg:$0xc] =	wrdreg s25  }
0xb: {  	s29 =	simm.s32 $0x3980;
	[dreg:$0xd] =	wrdreg s26  }
0xc: {  	s30 =	simm.s32 $0x4180;
	[dreg:$0xe] =	wrdreg s29  }
0xd: {  	s31 =	simm.s32 $0x4980;
	[dreg:$0xf] =	wrdreg s30  }
0xe: {  	s7 =	simm.s32 $0x5980;
	[dreg:$0x10] =	wrdreg s31  }
0xf: {  	s8 =	simm.s32 $0x6180;
	[dreg:$0x12] =	wrdreg s7  }
0x10: {  	s9 =	simm.s32 $0x6980;
	[dreg:$0x13] =	wrdreg s8  }
0x11: {  	s10 =	simm.s32 $0x7180;
	[dreg:$0x14] =	wrdreg s9  }
0x12: {  	s1 =	stileid.u32;
	s11 =	simm.s32 $0x7980;
	[dreg:$0x15] =	wrdreg s10  }
0x13: {  	s12 =	simm.s32 $0x8980;
	s14 =	simm.s32 $0x9180;
	[dreg:$0x16] =	wrdreg s11  }
0x14: {  	s15 =	simm.s32 $0x9980;
	s16 =	simm.s32 $0xA180;
	[dreg:$0x17] =	wrdreg s12  }
0x15: {  	s17 =	simm.s32 $0xA980;
	s28 =	simm.s32 $0x0;
	[dreg:$0x18] =	wrdreg s14  }
0x16: {  	s5 =	sshll.u32 s1, $0x11;
	s13 =	sshll.u32 s1, $0xC;
	[dreg:$0x19] =	wrdreg s15  }
0x17: {  	s5 =	sadd.s32 s5, s0;
	s6 =	sshll.u32 s4, $0x10;
	[dreg:$0x1a] =	wrdreg s16  }
0x18: {  	s5 =	sadd.s32 s6, s5;
	s7 =	sshll.u32 s4, $0xB;
	[dreg:$0x1b] =	wrdreg s17  }
0x19: {  	s4 =	ssub.s32 $0x2, s4;
	s19 =	simm.s32 $0xB980;
	s21 =	simm.s32 $0xC180  }
0x1a: {  	s22 =	simm.s32 $0xC980;
	s24 =	simm.s32 $0xD180;
	s25 =	simm.s32 $0xD980  }
0x1b: {  	s8 =	simm.s32 $0xE180;
	s26 =	simm.s32 $0xE980;
	[dreg:$0x1d] =	wrdreg s19  }
0x1c: {  	s29 =	simm.s32 $0xF180;
	s9 =	simm.s32 $0x180;
	[dreg:$0x1e] =	wrdreg s21  }
0x1d: {  	s30 =	simm.s32 $0xF980;
	s10 =	simm.s32 $0x8180;
	[dreg:$0x1f] =	wrdreg s22  }
0x1e: {  	s31 =	simm.s32 $0x10980;
	s11 =	simm.s32 $0x10180;
	[smem:$0x7F7] =	sst s24  }
0x1f: {  	s12 =	simm.s32 $0x11180;
	s14 =	simm.s32 $0x12180;
	[smem:$0x7F8] =	sst s25  }
0x20: {  	s15 =	simm.s32 $0x12980;
	s16 =	simm.s32 $0x13180;
	[smem:$0x7F9] =	sst s8  }
0x21: {  	s17 =	simm.s32 $0x13980;
	s18 =	sadd.s32 $0x208800, s5;
	[smem:$0x7FA] =	sst s26  }
0x22: {  	s6 =	sadd.s32 $0x8800, s5;
	s5 =	sadd.s32 $0x408800, s5;
	[smem:$0x7FB] =	sst s29  }
0x23: {  	s20 =	sshrl.u32 s4, $0x1;
	s8 =	simm.s32 $0x2;
	[smem:$0x7FC] =	sst s30  }
0x24: {  	[smem:$0x7FD] =	sst s31;
	s19 =	simm.s32 $0x14980;
	s21 =	simm.s32 $0x15980  }
0x25: {  	s22 =	simm.s32 $0x16180;
	s24 =	simm.s32 $0x17180;
	[dreg:$0x3] =	wrdreg s6  }
0x26: {  	s25 =	simm.s32 $0x17980;
	s26 =	simm.s32 $0x1;
	[dreg:$0x4] =	wrdreg s18  }
0x27: {  	[dreg:$0x5] =	wrdreg s5;
	s6 =	simm.s32 $0x5180;
	s18 =	simm.s32 $0xB180  }
0x28: {  	s4 =	ssub.s32 s4, s20;
	s20 =	simm.s32 $0x15180;
	[dreg:$0x11] =	wrdreg s6  }
0x29: {  	s6 =	sor.u32 s7, s13;
	[dreg:$0x1c] =	wrdreg s18;
	s23 =	smax.u32 s4, $0x1  }
0x2a: {  	v2 =	vlaneseq.u32;
	s13 =	simm.s32 $0x11980;
	s18 =	simm.s32 $0x14180;
	s6 =	sshrl.u32 s6, $0x3  }
0x2b: {  	vm0 =	vmmov $0xffff;
	v1 =	vshrl.u32 v2, $0x3;
	[smem:$0x7F6] =	sst s23;
	s23 =	simm.s32 $0x16980;
	s0 =	sadd.s32 s6, s0  }
0x2c: {  	v0 =	vand.u32 $0x7, v2;
	v2 =	vor.u32 $0x8, v2;
	v1 =	vmul.u32 $0x8, v1;
	s5 =	sadd.s32 $0x2800, s0;
	s6 =	sadd.s32 $0x4800, s0;
	s7 =	sadd.s32 $0x6800, s0  }
.LBB2_1:
0x2d: {  	s29 =	smov.u32 s7  }
0x2e: {  	s30 =	smov.u32 s6;
	s31 =	smov.u32 s5;
	s0 =	simm.s32 $0x0  }
.LBB2_2:
0x2f: {  	[tilespmem:s3], [sflag:$0x2] =	stream.linear.gather [hbm4b:s29+s3], $0x80, $0x38;
	[tilespmem:$0x18180] =	vst v63  }
0x30: {  	_ =	swait.ge [sflag:s8], $0x80  }
0x31: {  	[sflag:s8] =	ssyncset.done $0x0  }
0x32: {  	s1 =	rddreg [dreg:$0x6];
	[sflag:s8] =	ssyncadd.s32 $0xFFFFFF80  }
0x33: {  	[tilespmem:s1], [sflag:$0x2] =	stream.linear.gather [hbm4b:s30+s3], $0x80, $0x38;
	[tilespmem:$0x18180] =	vst v63  }
0x34: {  	_ =	swait.ge [sflag:s8], $0x80  }
0x35: {  	[sflag:s8] =	ssyncset.done $0x0  }
0x36: {  	s4 =	rddreg [dreg:$0x7];
	[sflag:s8] =	ssyncadd.s32 $0xFFFFFF80  }
0x37: {  	[tilespmem:s4], [sflag:$0x2] =	stream.linear.gather [hbm4b:s31+s3], $0x80, $0x38;
	[tilespmem:$0x18180] =	vst v63  }
0x38: {  	_ =	swait.ge [sflag:s8], $0x80  }
0x39: {  	[sflag:s8] =	ssyncset.done $0x0  }
0x3a: {  	[sflag:s8] =	ssyncadd.s32 $0xFFFFFF80  }
0x3b: {  	v3 =	vld [tilespmem:$0x0];
	_ =	sdelay $0x4  }
0x3c: {  	v4 =	vshll.u32 v3, $0x1  }
0x3d: {  	v3 =	vand.u32 $0x7, v3;
	v4 =	vand.u32 $0xFFFFFFF0, v4  }
0x3e: {  	v3 =	vor.u32 v3, v4  }
0x3f: {  	v4 =	vperm.xlane v3, v0;
	_ =	sdelay $0x1  }
0x40: {  	v3 =	vperm.xlane v3, v2;
	v4 =	vadd.s32 v1, v4;
	_ =	sdelay $0x1  }
0x41: {  	v3 =	vadd.s32 v1, v3;
	_ =	sdelay $0x2  }
0x42: {  	[tilespmem:s9], [sflag:$0x1] =	stream.indirect_vreg.gather [hbm4b:s2+s3], $0x80, v4, vm0, $0xb8;
	[tilespmem:$0x18180] =	vst v63  }
0x43: {  	s4 =	rddreg [dreg:$0x8]  }
0x44: {  	[tilespmem:s4], [sflag:$0x1] =	stream.indirect_vreg.gather [hbm4b:s2+s3], $0x80, v3, vm0, $0xb8;
	[tilespmem:$0x18180] =	vst v63  }
0x45: {  	v3 =	vld [tilespmem:$0x10];
	_ =	sdelay $0x4  }
0x46: {  	v41 =	vshll.u32 v3, $0x1  }
0x47: {  	v3 =	vand.u32 $0x7, v3;
	v4 =	vand.u32 $0xFFFFFFF0, v41  }
0x48: {  	v3 =	vor.u32 v3, v4  }
0x49: {  	v4 =	vperm.xlane v3, v0;
	_ =	sdelay $0x1  }
0x4a: {  	v3 =	vperm.xlane v3, v2;
	v4 =	vadd.s32 v1, v4;
	_ =	sdelay $0x1  }
0x4b: {  	v3 =	vadd.s32 v1, v3;
	_ =	sdelay $0x1  }
0x4c: {  	s1 =	rddreg [dreg:$0x9]  }
0x4d: {  	[tilespmem:s1], [sflag:$0x1] =	stream.indirect_vreg.gather [hbm4b:s2+s3], $0x80, v4, vm0, $0xb8;
	[tilespmem:$0x18180] =	vst v63  }
0x4e: {  	s4 =	rddreg [dreg:$0xa]  }
0x4f: {  	[tilespmem:s4], [sflag:$0x1] =	stream.indirect_vreg.gather [hbm4b:s2+s3], $0x80, v3, vm0, $0xb8;
	[tilespmem:$0x18180] =	vst v63  }
0x50: {  	v3 =	vld [tilespmem:$0x20];
	_ =	sdelay $0x4  }
0x51: {  	v42 =	vshll.u32 v3, $0x1  }
0x52: {  	v3 =	vand.u32 $0x7, v3;
	v4 =	vand.u32 $0xFFFFFFF0, v42  }
0x53: {  	v3 =	vor.u32 v3, v4  }
0x54: {  	v4 =	vperm.xlane v3, v0;
	_ =	sdelay $0x1  }
0x55: {  	v3 =	vperm.xlane v3, v2;
	v4 =	vadd.s32 v1, v4;
	_ =	sdelay $0x1  }
0x56: {  	v3 =	vadd.s32 v1, v3;
	_ =	sdelay $0x1  }
0x57: {  	s1 =	rddreg [dreg:$0xb]  }
0x58: {  	[tilespmem:s1], [sflag:$0x1] =	stream.indirect_vreg.gather [hbm4b:s2+s3], $0x80, v4, vm0, $0xb8;
	[tilespmem:$0x18180] =	vst v63  }
0x59: {  	s4 =	rddreg [dreg:$0xc]  }
0x5a: {  	[tilespmem:s4], [sflag:$0x1] =	stream.indirect_vreg.gather [hbm4b:s2+s3], $0x80, v3, vm0, $0xb8;
	[tilespmem:$0x18180] =	vst v63  }
0x5b: {  	v3 =	vld [tilespmem:$0x30];
	_ =	sdelay $0x4  }
0x5c: {  	v43 =	vshll.u32 v3, $0x1  }
0x5d: {  	v3 =	vand.u32 $0x7, v3;
	v4 =	vand.u32 $0xFFFFFFF0, v43  }
0x5e: {  	v3 =	vor.u32 v3, v4  }
0x5f: {  	v4 =	vperm.xlane v3, v0;
	_ =	sdelay $0x1  }
0x60: {  	v3 =	vperm.xlane v3, v2;
	v4 =	vadd.s32 v1, v4;
	_ =	sdelay $0x1  }
0x61: {  	v3 =	vadd.s32 v1, v3;
	_ =	sdelay $0x1  }
0x62: {  	s1 =	rddreg [dreg:$0xd]  }
0x63: {  	[tilespmem:s1], [sflag:$0x1] =	stream.indirect_vreg.gather [hbm4b:s2+s3], $0x80, v4, vm0, $0xb8;
	[tilespmem:$0x18180] =	vst v63  }
0x64: {  	s4 =	rddreg [dreg:$0xe]  }
0x65: {  	[tilespmem:s4], [sflag:$0x1] =	stream.indirect_vreg.gather [hbm4b:s2+s3], $0x80, v3, vm0, $0xb8;
	[tilespmem:$0x18180] =	vst v63  }
0x66: {  	v3 =	vld [tilespmem:$0x40];
	_ =	sdelay $0x4  }
0x67: {  	v44 =	vshll.u32 v3, $0x1  }
0x68: {  	v3 =	vand.u32 $0x7, v3;
	v4 =	vand.u32 $0xFFFFFFF0, v44  }
0x69: {  	v3 =	vor.u32 v3, v4  }
0x6a: {  	v4 =	vperm.xlane v3, v0;
	_ =	sdelay $0x1  }
0x6b: {  	v3 =	vperm.xlane v3, v2;
	v4 =	vadd.s32 v1, v4;
	_ =	sdelay $0x1  }
0x6c: {  	v3 =	vadd.s32 v1, v3;
	_ =	sdelay $0x1  }
0x6d: {  	s1 =	rddreg [dreg:$0xf]  }
0x6e: {  	[tilespmem:s1], [sflag:$0x1] =	stream.indirect_vreg.gather [hbm4b:s2+s3], $0x80, v4, vm0, $0xb8;
	[tilespmem:$0x18180] =	vst v63  }
0x6f: {  	s4 =	rddreg [dreg:$0x10]  }
0x70: {  	[tilespmem:s4], [sflag:$0x1] =	stream.indirect_vreg.gather [hbm4b:s2+s3], $0x80, v3, vm0, $0xb8;
	[tilespmem:$0x18180] =	vst v63  }
0x71: {  	v3 =	vld [tilespmem:$0x50];
	_ =	sdelay $0x4  }
0x72: {  	v45 =	vshll.u32 v3, $0x1  }
0x73: {  	v3 =	vand.u32 $0x7, v3;
	v4 =	vand.u32 $0xFFFFFFF0, v45  }
0x74: {  	v3 =	vor.u32 v3, v4  }
0x75: {  	v4 =	vperm.xlane v3, v0;
	_ =	sdelay $0x1  }
0x76: {  	v3 =	vperm.xlane v3, v2;
	v4 =	vadd.s32 v1, v4;
	_ =	sdelay $0x1  }
0x77: {  	v3 =	vadd.s32 v1, v3;
	_ =	sdelay $0x1  }
0x78: {  	s1 =	rddreg [dreg:$0x11]  }
0x79: {  	[tilespmem:s1], [sflag:$0x1] =	stream.indirect_vreg.gather [hbm4b:s2+s3], $0x80, v4, vm0, $0xb8;
	[tilespmem:$0x18180] =	vst v63  }
0x7a: {  	s4 =	rddreg [dreg:$0x12]  }
0x7b: {  	[tilespmem:s4], [sflag:$0x1] =	stream.indirect_vreg.gather [hbm4b:s2+s3], $0x80, v3, vm0, $0xb8;
	[tilespmem:$0x18180] =	vst v63  }
0x7c: {  	v3 =	vld [tilespmem:$0x60];
	_ =	sdelay $0x4  }
0x7d: {  	v46 =	vshll.u32 v3, $0x1  }
0x7e: {  	v3 =	vand.u32 $0x7, v3;
	v4 =	vand.u32 $0xFFFFFFF0, v46  }
0x7f: {  	v3 =	vor.u32 v3, v4  }
0x80: {  	v4 =	vperm.xlane v3, v0;
	_ =	sdelay $0x1  }
0x81: {  	v3 =	vperm.xlane v3, v2;
	v4 =	vadd.s32 v1, v4;
	_ =	sdelay $0x1  }
0x82: {  	v3 =	vadd.s32 v1, v3;
	_ =	sdelay $0x1  }
0x83: {  	s1 =	rddreg [dreg:$0x13]  }
0x84: {  	[tilespmem:s1], [sflag:$0x1] =	stream.indirect_vreg.gather [hbm4b:s2+s3], $0x80, v4, vm0, $0xb8;
	[tilespmem:$0x18180] =	vst v63  }
0x85: {  	s4 =	rddreg [dreg:$0x14]  }
0x86: {  	[tilespmem:s4], [sflag:$0x1] =	stream.indirect_vreg.gather [hbm4b:s2+s3], $0x80, v3, vm0, $0xb8;
	[tilespmem:$0x18180] =	vst v63  }
0x87: {  	v3 =	vld [tilespmem:$0x70];
	_ =	sdelay $0x4  }
0x88: {  	v47 =	vshll.u32 v3, $0x1  }
0x89: {  	v3 =	vand.u32 $0x7, v3;
	v4 =	vand.u32 $0xFFFFFFF0, v47  }
0x8a: {  	v3 =	vor.u32 v3, v4  }
0x8b: {  	v4 =	vperm.xlane v3, v0;
	_ =	sdelay $0x1  }
0x8c: {  	v3 =	vperm.xlane v3, v2;
	v4 =	vadd.s32 v1, v4;
	_ =	sdelay $0x1  }
0x8d: {  	v3 =	vadd.s32 v1, v3;
	_ =	sdelay $0x1  }
0x8e: {  	s1 =	rddreg [dreg:$0x15]  }
0x8f: {  	[tilespmem:s1], [sflag:$0x1] =	stream.indirect_vreg.gather [hbm4b:s2+s3], $0x80, v4, vm0, $0xb8;
	[tilespmem:$0x18180] =	vst v63  }
0x90: {  	s4 =	rddreg [dreg:$0x16]  }
0x91: {  	[tilespmem:s4], [sflag:$0x1] =	stream.indirect_vreg.gather [hbm4b:s2+s3], $0x80, v3, vm0, $0xb8;
	[tilespmem:$0x18180] =	vst v63  }
0x92: {  	v3 =	vld [tilespmem:$0x80];
	_ =	sdelay $0x4  }
0x93: {  	v48 =	vshll.u32 v3, $0x1  }
0x94: {  	v3 =	vand.u32 $0x7, v3;
	v4 =	vand.u32 $0xFFFFFFF0, v48  }
0x95: {  	v3 =	vor.u32 v3, v4  }
0x96: {  	v4 =	vperm.xlane v3, v0;
	_ =	sdelay $0x1  }
0x97: {  	v3 =	vperm.xlane v3, v2;
	v4 =	vadd.s32 v1, v4;
	_ =	sdelay $0x1  }
0x98: {  	v3 =	vadd.s32 v1, v3;
	_ =	sdelay $0x2  }
0x99: {  	[tilespmem:s10], [sflag:$0x1] =	stream.indirect_vreg.gather [hbm4b:s2+s3], $0x80, v4, vm0, $0xb8;
	[tilespmem:$0x18180] =	vst v63  }
0x9a: {  	s4 =	rddreg [dreg:$0x17]  }
0x9b: {  	[tilespmem:s4], [sflag:$0x1] =	stream.indirect_vreg.gather [hbm4b:s2+s3], $0x80, v3, vm0, $0xb8;
	[tilespmem:$0x18180] =	vst v63  }
0x9c: {  	v3 =	vld [tilespmem:$0x90];
	_ =	sdelay $0x4  }
0x9d: {  	v49 =	vshll.u32 v3, $0x1  }
0x9e: {  	v3 =	vand.u32 $0x7, v3;
	v4 =	vand.u32 $0xFFFFFFF0, v49  }
0x9f: {  	v3 =	vor.u32 v3, v4  }
0xa0: {  	v4 =	vperm.xlane v3, v0;
	_ =	sdelay $0x1  }
0xa1: {  	v3 =	vperm.xlane v3, v2;
	v4 =	vadd.s32 v1, v4;
	_ =	sdelay $0x1  }
0xa2: {  	v3 =	vadd.s32 v1, v3;
	_ =	sdelay $0x1  }
0xa3: {  	s1 =	rddreg [dreg:$0x18]  }
0xa4: {  	[tilespmem:s1], [sflag:$0x1] =	stream.indirect_vreg.gather [hbm4b:s2+s3], $0x80, v4, vm0, $0xb8;
	[tilespmem:$0x18180] =	vst v63  }
0xa5: {  	s4 =	rddreg [dreg:$0x19]  }
0xa6: {  	[tilespmem:s4], [sflag:$0x1] =	stream.indirect_vreg.gather [hbm4b:s2+s3], $0x80, v3, vm0, $0xb8;
	[tilespmem:$0x18180] =	vst v63  }
0xa7: {  	v3 =	vld [tilespmem:$0xA0];
	_ =	sdelay $0x4  }
0xa8: {  	v50 =	vshll.u32 v3, $0x1  }
0xa9: {  	v3 =	vand.u32 $0x7, v3;
	v4 =	vand.u32 $0xFFFFFFF0, v50  }
0xaa: {  	v3 =	vor.u32 v3, v4  }
0xab: {  	v4 =	vperm.xlane v3, v0;
	_ =	sdelay $0x1  }
0xac: {  	v3 =	vperm.xlane v3, v2;
	v4 =	vadd.s32 v1, v4;
	_ =	sdelay $0x1  }
0xad: {  	v3 =	vadd.s32 v1, v3;
	_ =	sdelay $0x1  }
0xae: {  	s1 =	rddreg [dreg:$0x1a]  }
0xaf: {  	[tilespmem:s1], [sflag:$0x1] =	stream.indirect_vreg.gather [hbm4b:s2+s3], $0x80, v4, vm0, $0xb8;
	[tilespmem:$0x18180] =	vst v63  }
0xb0: {  	s4 =	rddreg [dreg:$0x1b]  }
0xb1: {  	[tilespmem:s4], [sflag:$0x1] =	stream.indirect_vreg.gather [hbm4b:s2+s3], $0x80, v3, vm0, $0xb8;
	[tilespmem:$0x18180] =	vst v63  }
0xb2: {  	v3 =	vld [tilespmem:$0xB0];
	_ =	sdelay $0x4  }
0xb3: {  	v51 =	vshll.u32 v3, $0x1  }
0xb4: {  	v3 =	vand.u32 $0x7, v3;
	v4 =	vand.u32 $0xFFFFFFF0, v51  }
0xb5: {  	v3 =	vor.u32 v3, v4  }
0xb6: {  	v4 =	vperm.xlane v3, v0;
	_ =	sdelay $0x1  }
0xb7: {  	v3 =	vperm.xlane v3, v2;
	v4 =	vadd.s32 v1, v4;
	_ =	sdelay $0x1  }
0xb8: {  	v3 =	vadd.s32 v1, v3;
	_ =	sdelay $0x1  }
0xb9: {  	s1 =	rddreg [dreg:$0x1c]  }
0xba: {  	[tilespmem:s1], [sflag:$0x1] =	stream.indirect_vreg.gather [hbm4b:s2+s3], $0x80, v4, vm0, $0xb8;
	[tilespmem:$0x18180] =	vst v63  }
0xbb: {  	s4 =	rddreg [dreg:$0x1d]  }
0xbc: {  	[tilespmem:s4], [sflag:$0x1] =	stream.indirect_vreg.gather [hbm4b:s2+s3], $0x80, v3, vm0, $0xb8;
	[tilespmem:$0x18180] =	vst v63  }
0xbd: {  	v3 =	vld [tilespmem:$0xC0];
	_ =	sdelay $0x4  }
0xbe: {  	v52 =	vshll.u32 v3, $0x1  }
0xbf: {  	v3 =	vand.u32 $0x7, v3;
	v4 =	vand.u32 $0xFFFFFFF0, v52  }
0xc0: {  	v3 =	vor.u32 v3, v4  }
0xc1: {  	v4 =	vperm.xlane v3, v0;
	_ =	sdelay $0x1  }
0xc2: {  	v3 =	vperm.xlane v3, v2;
	v4 =	vadd.s32 v1, v4;
	_ =	sdelay $0x1  }
0xc3: {  	v3 =	vadd.s32 v1, v3;
	_ =	sdelay $0x1  }
0xc4: {  	s1 =	rddreg [dreg:$0x1e]  }
0xc5: {  	[tilespmem:s1], [sflag:$0x1] =	stream.indirect_vreg.gather [hbm4b:s2+s3], $0x80, v4, vm0, $0xb8;
	[tilespmem:$0x18180] =	vst v63  }
0xc6: {  	s4 =	rddreg [dreg:$0x1f]  }
0xc7: {  	[tilespmem:s4], [sflag:$0x1] =	stream.indirect_vreg.gather [hbm4b:s2+s3], $0x80, v3, vm0, $0xb8;
	[tilespmem:$0x18180] =	vst v63  }
0xc8: {  	v3 =	vld [tilespmem:$0xD0];
	_ =	sdelay $0x4  }
0xc9: {  	v53 =	vshll.u32 v3, $0x1  }
0xca: {  	v3 =	vand.u32 $0x7, v3;
	v4 =	vand.u32 $0xFFFFFFF0, v53  }
0xcb: {  	v3 =	vor.u32 v3, v4  }
0xcc: {  	v4 =	vperm.xlane v3, v0;
	_ =	sdelay $0x1  }
0xcd: {  	v3 =	vperm.xlane v3, v2;
	v4 =	vadd.s32 v1, v4;
	_ =	sdelay $0x1  }
0xce: {  	s1 =	sld [smem:$0x7F7];
	v3 =	vadd.s32 v1, v3;
	_ =	sdelay $0x1  }
0xcf: {  	s4 =	sld [smem:$0x7F8]  }
0xd0: {  	[tilespmem:s1], [sflag:$0x1] =	stream.indirect_vreg.gather [hbm4b:s2+s3], $0x80, v4, vm0, $0xb8;
	[tilespmem:$0x18180] =	vst v63  }
0xd1: {  	_ = 	snop  }
0xd2: {  	[tilespmem:s4], [sflag:$0x1] =	stream.indirect_vreg.gather [hbm4b:s2+s3], $0x80, v3, vm0, $0xb8;
	[tilespmem:$0x18180] =	vst v63  }
0xd3: {  	v3 =	vld [tilespmem:$0xE0];
	_ =	sdelay $0x4  }
0xd4: {  	v54 =	vshll.u32 v3, $0x1  }
0xd5: {  	v3 =	vand.u32 $0x7, v3;
	v4 =	vand.u32 $0xFFFFFFF0, v54  }
0xd6: {  	v3 =	vor.u32 v3, v4  }
0xd7: {  	v4 =	vperm.xlane v3, v0;
	_ =	sdelay $0x1  }
0xd8: {  	v3 =	vperm.xlane v3, v2;
	v4 =	vadd.s32 v1, v4;
	_ =	sdelay $0x1  }
0xd9: {  	s1 =	sld [smem:$0x7F9];
	v3 =	vadd.s32 v1, v3;
	_ =	sdelay $0x1  }
0xda: {  	s4 =	sld [smem:$0x7FA]  }
0xdb: {  	[tilespmem:s1], [sflag:$0x1] =	stream.indirect_vreg.gather [hbm4b:s2+s3], $0x80, v4, vm0, $0xb8;
	[tilespmem:$0x18180] =	vst v63  }
0xdc: {  	_ = 	snop  }
0xdd: {  	[tilespmem:s4], [sflag:$0x1] =	stream.indirect_vreg.gather [hbm4b:s2+s3], $0x80, v3, vm0, $0xb8;
	[tilespmem:$0x18180] =	vst v63  }
0xde: {  	v3 =	vld [tilespmem:$0xF0];
	_ =	sdelay $0x4  }
0xdf: {  	v55 =	vshll.u32 v3, $0x1  }
0xe0: {  	v3 =	vand.u32 $0x7, v3;
	v4 =	vand.u32 $0xFFFFFFF0, v55  }
0xe1: {  	v3 =	vor.u32 v3, v4  }
0xe2: {  	v4 =	vperm.xlane v3, v0;
	_ =	sdelay $0x1  }
0xe3: {  	v3 =	vperm.xlane v3, v2;
	v4 =	vadd.s32 v1, v4;
	_ =	sdelay $0x1  }
0xe4: {  	s1 =	sld [smem:$0x7FB];
	v3 =	vadd.s32 v1, v3;
	_ =	sdelay $0x1  }
0xe5: {  	s4 =	sld [smem:$0x7FC]  }
0xe6: {  	[tilespmem:s1], [sflag:$0x1] =	stream.indirect_vreg.gather [hbm4b:s2+s3], $0x80, v4, vm0, $0xb8;
	[tilespmem:$0x18180] =	vst v63  }
0xe7: {  	_ = 	snop  }
0xe8: {  	[tilespmem:s4], [sflag:$0x1] =	stream.indirect_vreg.gather [hbm4b:s2+s3], $0x80, v3, vm0, $0xb8;
	[tilespmem:$0x18180] =	vst v63  }
0xe9: {  	v3 =	vld [tilespmem:$0x100];
	_ =	sdelay $0x4  }
0xea: {  	v56 =	vshll.u32 v3, $0x1  }
0xeb: {  	v3 =	vand.u32 $0x7, v3;
	v4 =	vand.u32 $0xFFFFFFF0, v56  }
0xec: {  	v3 =	vor.u32 v3, v4  }
0xed: {  	v4 =	vperm.xlane v3, v0;
	_ =	sdelay $0x1  }
0xee: {  	v3 =	vperm.xlane v3, v2;
	v4 =	vadd.s32 v1, v4;
	_ =	sdelay $0x1  }
0xef: {  	v3 =	vadd.s32 v1, v3;
	_ =	sdelay $0x1  }
0xf0: {  	s4 =	sld [smem:$0x7FD]  }
0xf1: {  	[tilespmem:s11], [sflag:$0x1] =	stream.indirect_vreg.gather [hbm4b:s2+s3], $0x80, v4, vm0, $0xb8;
	[tilespmem:$0x18180] =	vst v63  }
0xf2: {  	_ = 	snop  }
0xf3: {  	[tilespmem:s4], [sflag:$0x1] =	stream.indirect_vreg.gather [hbm4b:s2+s3], $0x80, v3, vm0, $0xb8;
	[tilespmem:$0x18180] =	vst v63  }
0xf4: {  	v3 =	vld [tilespmem:$0x110];
	_ =	sdelay $0x4  }
0xf5: {  	v57 =	vshll.u32 v3, $0x1  }
0xf6: {  	v3 =	vand.u32 $0x7, v3;
	v4 =	vand.u32 $0xFFFFFFF0, v57  }
0xf7: {  	v3 =	vor.u32 v3, v4  }
0xf8: {  	v4 =	vperm.xlane v3, v0;
	_ =	sdelay $0x1  }
0xf9: {  	v3 =	vperm.xlane v3, v2;
	v4 =	vadd.s32 v1, v4;
	_ =	sdelay $0x1  }
0xfa: {  	v3 =	vadd.s32 v1, v3;
	_ =	sdelay $0x2  }
0xfb: {  	[tilespmem:s12], [sflag:$0x1] =	stream.indirect_vreg.gather [hbm4b:s2+s3], $0x80, v4, vm0, $0xb8;
	[tilespmem:$0x18180] =	vst v63  }
0xfc: {  	_ = 	snop  }
0xfd: {  	[tilespmem:s13], [sflag:$0x1] =	stream.indirect_vreg.gather [hbm4b:s2+s3], $0x80, v3, vm0, $0xb8;
	[tilespmem:$0x18180] =	vst v63  }
0xfe: {  	v3 =	vld [tilespmem:$0x120];
	_ =	sdelay $0x4  }
0xff: {  	v58 =	vshll.u32 v3, $0x1  }
0x100: {  	v3 =	vand.u32 $0x7, v3;
	v4 =	vand.u32 $0xFFFFFFF0, v58  }
0x101: {  	v3 =	vor.u32 v3, v4  }
0x102: {  	v4 =	vperm.xlane v3, v0;
	_ =	sdelay $0x1  }
0x103: {  	v3 =	vperm.xlane v3, v2;
	v4 =	vadd.s32 v1, v4;
	_ =	sdelay $0x1  }
0x104: {  	v3 =	vadd.s32 v1, v3;
	_ =	sdelay $0x2  }
0x105: {  	[tilespmem:s14], [sflag:$0x1] =	stream.indirect_vreg.gather [hbm4b:s2+s3], $0x80, v4, vm0, $0xb8;
	[tilespmem:$0x18180] =	vst v63  }
0x106: {  	_ = 	snop  }
0x107: {  	[tilespmem:s15], [sflag:$0x1] =	stream.indirect_vreg.gather [hbm4b:s2+s3], $0x80, v3, vm0, $0xb8;
	[tilespmem:$0x18180] =	vst v63  }
0x108: {  	v3 =	vld [tilespmem:$0x130];
	_ =	sdelay $0x4  }
0x109: {  	v59 =	vshll.u32 v3, $0x1  }
0x10a: {  	v3 =	vand.u32 $0x7, v3;
	v4 =	vand.u32 $0xFFFFFFF0, v59  }
0x10b: {  	v3 =	vor.u32 v3, v4  }
0x10c: {  	v4 =	vperm.xlane v3, v0;
	_ =	sdelay $0x1  }
0x10d: {  	v3 =	vperm.xlane v3, v2;
	v4 =	vadd.s32 v1, v4;
	_ =	sdelay $0x1  }
0x10e: {  	v3 =	vadd.s32 v1, v3;
	_ =	sdelay $0x2  }
0x10f: {  	[tilespmem:s16], [sflag:$0x1] =	stream.indirect_vreg.gather [hbm4b:s2+s3], $0x80, v4, vm0, $0xb8;
	[tilespmem:$0x18180] =	vst v63  }
0x110: {  	_ = 	snop  }
0x111: {  	[tilespmem:s17], [sflag:$0x1] =	stream.indirect_vreg.gather [hbm4b:s2+s3], $0x80, v3, vm0, $0xb8;
	[tilespmem:$0x18180] =	vst v63  }
0x112: {  	v3 =	vld [tilespmem:$0x140];
	_ =	sdelay $0x4  }
0x113: {  	v60 =	vshll.u32 v3, $0x1  }
0x114: {  	v3 =	vand.u32 $0x7, v3;
	v4 =	vand.u32 $0xFFFFFFF0, v60  }
0x115: {  	v3 =	vor.u32 v3, v4  }
0x116: {  	v4 =	vperm.xlane v3, v0;
	_ =	sdelay $0x1  }
0x117: {  	v3 =	vperm.xlane v3, v2;
	v4 =	vadd.s32 v1, v4;
	_ =	sdelay $0x1  }
0x118: {  	v3 =	vadd.s32 v1, v3;
	_ =	sdelay $0x2  }
0x119: {  	[tilespmem:s18], [sflag:$0x1] =	stream.indirect_vreg.gather [hbm4b:s2+s3], $0x80, v4, vm0, $0xb8;
	[tilespmem:$0x18180] =	vst v63  }
0x11a: {  	_ = 	snop  }
0x11b: {  	[tilespmem:s19], [sflag:$0x1] =	stream.indirect_vreg.gather [hbm4b:s2+s3], $0x80, v3, vm0, $0xb8;
	[tilespmem:$0x18180] =	vst v63  }
0x11c: {  	v3 =	vld [tilespmem:$0x150];
	_ =	sdelay $0x4  }
0x11d: {  	v61 =	vshll.u32 v3, $0x1  }
0x11e: {  	v3 =	vand.u32 $0x7, v3;
	v4 =	vand.u32 $0xFFFFFFF0, v61  }
0x11f: {  	v3 =	vor.u32 v3, v4  }
0x120: {  	v4 =	vperm.xlane v3, v0;
	_ =	sdelay $0x1  }
0x121: {  	v3 =	vperm.xlane v3, v2;
	v4 =	vadd.s32 v1, v4;
	_ =	sdelay $0x1  }
0x122: {  	v3 =	vadd.s32 v1, v3;
	_ =	sdelay $0x2  }
0x123: {  	[tilespmem:s20], [sflag:$0x1] =	stream.indirect_vreg.gather [hbm4b:s2+s3], $0x80, v4, vm0, $0xb8;
	[tilespmem:$0x18180] =	vst v63  }
0x124: {  	_ = 	snop  }
0x125: {  	[tilespmem:s21], [sflag:$0x1] =	stream.indirect_vreg.gather [hbm4b:s2+s3], $0x80, v3, vm0, $0xb8;
	[tilespmem:$0x18180] =	vst v63  }
0x126: {  	v3 =	vld [tilespmem:$0x160];
	_ =	sdelay $0x4  }
0x127: {  	v62 =	vshll.u32 v3, $0x1  }
0x128: {  	v3 =	vand.u32 $0x7, v3;
	v4 =	vand.u32 $0xFFFFFFF0, v62  }
0x129: {  	v3 =	vor.u32 v3, v4  }
0x12a: {  	v4 =	vperm.xlane v3, v0;
	_ =	sdelay $0x1  }
0x12b: {  	v3 =	vperm.xlane v3, v2;
	v4 =	vadd.s32 v1, v4;
	_ =	sdelay $0x1  }
0x12c: {  	v3 =	vadd.s32 v1, v3;
	_ =	sdelay $0x2  }
0x12d: {  	[tilespmem:s22], [sflag:$0x1] =	stream.indirect_vreg.gather [hbm4b:s2+s3], $0x80, v4, vm0, $0xb8;
	[tilespmem:$0x18180] =	vst v63  }
0x12e: {  	_ = 	snop  }
0x12f: {  	[tilespmem:s23], [sflag:$0x1] =	stream.indirect_vreg.gather [hbm4b:s2+s3], $0x80, v3, vm0, $0xb8;
	[tilespmem:$0x18180] =	vst v63  }
0x130: {  	v3 =	vld [tilespmem:$0x170];
	_ =	sdelay $0x4  }
0x131: {  	v63 =	vshll.u32 v3, $0x1  }
0x132: {  	v3 =	vand.u32 $0x7, v3;
	v4 =	vand.u32 $0xFFFFFFF0, v63  }
0x133: {  	v3 =	vor.u32 v3, v4  }
0x134: {  	v4 =	vperm.xlane v3, v0;
	_ =	sdelay $0x1  }
0x135: {  	v3 =	vperm.xlane v3, v2;
	v4 =	vadd.s32 v1, v4;
	_ =	sdelay $0x1  }
0x136: {  	v3 =	vadd.s32 v1, v3;
	_ =	sdelay $0x2  }
0x137: {  	[tilespmem:s24], [sflag:$0x1] =	stream.indirect_vreg.gather [hbm4b:s2+s3], $0x80, v4, vm0, $0xb8;
	[tilespmem:$0x18180] =	vst v63  }
0x138: {  	_ = 	snop  }
0x139: {  	[tilespmem:s25], [sflag:$0x1] =	stream.indirect_vreg.gather [hbm4b:s2+s3], $0x80, v3, vm0, $0xb8;
	[tilespmem:$0x18180] =	vst v63  }
0x13a: {  	_ =	swait.ge [sflag:s26], $0x8000  }
0x13b: {  	[sflag:s26] =	ssyncset.done $0x0  }
0x13c: {  	[sflag:s26] =	ssyncadd.s32 $0xFFFF8000  }
0x13d: {  	_ =	swait.ge [sflag:s26], $0x8000  }
0x13e: {  	[sflag:s26] =	ssyncset.done $0x0  }
0x13f: {  	[sflag:s26] =	ssyncadd.s32 $0xFFFF8000  }
0x140: {  	_ =	swait.ge [sflag:s26], $0x8000  }
0x141: {  	s4 =	rddreg [dreg:$0x3];
	[sflag:s26] =	ssyncset.done $0x0  }
0x142: {  	[sflag:s26] =	ssyncadd.s32 $0xFFFF8000;
	s1 =	sadd.s32 s0, s4  }
0x143: {  	[hbm4b:s1+s3] =	stream.linear.scatter [tilespmem:s9], [sflag:$0x2], $0x8000, $0x38;
	[tilespmem:$0x18180] =	vst v63  }
0x144: {  	_ =	swait.ge [sflag:s8], $0x8000  }
0x145: {  	s4 =	rddreg [dreg:$0x4];
	[sflag:s8] =	ssyncset.done $0x0  }
0x146: {  	[sflag:s8] =	ssyncadd.s32 $0xFFFF8000;
	s1 =	sadd.s32 s0, s4  }
0x147: {  	[hbm4b:s1+s3] =	stream.linear.scatter [tilespmem:s10], [sflag:$0x2], $0x8000, $0x38;
	[tilespmem:$0x18180] =	vst v63  }
0x148: {  	_ =	swait.ge [sflag:s8], $0x8000  }
0x149: {  	p0 =	sne.s32 s0, $0xF000;
	s4 =	rddreg [dreg:$0x5];
	[sflag:s8] =	ssyncset.done $0x0  }
.Ltmp0:
0x14a: {  	[sflag:s8] =	ssyncadd.s32 $0xFFFF8000;
	s1 =	sadd.s32 s0, s4;
	(pc) =	sbr.rel @p0 .LBB2_2-.Ltmp0, $4  }
0x14b: {  	[hbm4b:s1+s3] =	stream.linear.scatter [tilespmem:s11], [sflag:$0x2], $0x8000, $0x38;
	[tilespmem:$0x18180] =	vst v63  }
0x14c: {  	_ =	swait.ge [sflag:s8], $0x8000  }
0x14d: {  	s29 =	sadd.s32 $0x10, s29;
	s30 =	sadd.s32 $0x10, s30;
	[sflag:s8] =	ssyncset.done $0x0  }
0x14e: {  	s31 =	sadd.s32 $0x10, s31;
	s0 =	sadd.s32 $0x1000, s0;
	[sflag:s8] =	ssyncadd.s32 $0xFFFF8000  }
0x14f: {  	s0 =	sld [smem:$0x7F6];
	_ =	sdelay $0x1  }
0x150: {  	s28 =	sadd.s32 $0x1, s28  }
0x151: {  	p0 =	sne.s32 s28, s0  }
.Ltmp1:
0x152: {  	_ = 	snop;
	(pc) =	sbr.rel @p0 .LBB2_1-.Ltmp1, $1  }
0x153: {  	_ =	sdelay $0x3  }
0x154: {  	_ =	sfence.sel $0x180000  }
0x155: {  	[bflag:$0x0] =	sbarrier.arrive $0xFFFF  }
0x156: {  	_ =	strace $0x90000047  }
0x157: {  	s0 =	stileid.u32;
	[bflag:$0x2] =	sbarrier.arrive $0xFFFF  }
0x158: {  	p0 =	sne.s32 s0, $0x0;
	s0 =	rddreg [dreg:$0x2]  }
0x159: {  	s0 =	sadd.s32 @!p0 $0x100000, s0  }
0x15a: {  	[sflag:s0] =	ssyncadd.tile.s32 @!p0 $0x1;
	_ =	shalt  }
.Lfunc_end2:
_tile_overlayer_lowered:
.L_overlay_start_2:
0x15b: {  	(tag) =	ssettag $0x2  }
0x15c: {  	s0 =	rddreg [dreg:$0x0];
	s2 =	stileid.u32  }
0x15d: {  	s1 =	rddreg [dreg:$0x1];
	p0 =	sne.s32 s2, $0x0  }
0x15e: {  	s3 =	rddreg [dreg:$0x2];
	[bflag:$0x3] =	sbarrier.arrive $0xFFFF;
	s2 =	simm.s32 @!p0 $0x1C02  }
0x15f: {  	[timem:s3], [sflag:s2] =	dma.local @!p0 [hbm:s0], s1  }
0x160: {  	s0 =	simm.s32 @!p0 $0x2  }
0x161: {  	_ =	swait.ge @!p0 [sflag:s0], s1  }
0x162: {  	s1 =	ssub.s32 @!p0 $0x0, s1;
	[sflag:s0] =	ssyncset.done @!p0 $0x0  }
0x163: {  	[sflag:s0] =	ssyncadd.s32 @!p0 s1  }
0x164: {  	[bflag:$0x3] =	sbarrier.arrive $0xFFFF  }
0x165: {  	_ =	shalt  }

</sc_bundles>
